<compile_context>
chip_gen: v7x
topology: tpu7x:2x2x1
jax: 0.10.2.dev20260603
libtpu: 0.0.44.dev20260713+nightly
codegen_flags: <defaults>
</compile_context>

<pallas_src>
import jax
import jax.numpy as jnp
from jax import lax
from jax.experimental import pallas as pl
from jax.experimental.pallas import tpu as pltpu
from jax.experimental.pallas import tpu_sc as plsc

_N = 10000
_E = 320000
_DIN = 128
_DHID = 128
_DOUT = 64

_NC = 2
_NS = 16
_NW = _NC * _NS
_EPW = _E // _NW
_K = 80
_NBLK = _EPW // _K
_NPAD = 10240
_RPT = _NPAD // _NS
_CW = 8

_BLK = 1000
_G = _N // _BLK


_SC_MESH = plsc.VectorSubcoreMesh(
    core_axis_name="c", subcore_axis_name="s",
    num_cores=_NC, num_subcores=_NS)
_SC_PARAMS = pltpu.CompilerParams(use_tc_tiling_on_sc=False)


def _make_sc_agg(D, stage_src=False):
  out_type = [jax.ShapeDtypeStruct((_NC, _NPAD, D), jnp.float32)]
  scratch = [
      pltpu.VMEM((_NBLK, _K), jnp.int32),
      pltpu.VMEM((_NBLK, _K), jnp.int32),
      pltpu.VMEM((_K, D), jnp.float32),
      pltpu.VMEM((_K, D), jnp.float32),
      pltpu.VMEM_SHARED((_NPAD, D), jnp.float32),
      pltpu.SemaphoreType.DMA,
      pltpu.SemaphoreType.DMA,
  ]
  if stage_src:
    scratch.append(pltpu.VMEM_SHARED((_N, D), jnp.float32))

  def body(u_hbm, src_hbm, dst_hbm, zrow_hbm, out_hbm,
           srci, dsti, rows0, rows1, accum, gsem0, gsem1, *maybe_stage):
    cid = lax.axis_index("c")
    sid = lax.axis_index("s")
    wid = cid * _NS + sid
    roff = pl.multiple_of(sid * _RPT, 8)
    icp0 = pltpu.async_copy(src_hbm.at[wid], srci, gsem0)
    icp1 = pltpu.async_copy(dst_hbm.at[wid], dsti, gsem1)
    pltpu.sync_copy(zrow_hbm.at[pl.ds(roff, _RPT)],
                    accum.at[pl.ds(roff, _RPT)])
    if stage_src:
      u_tab = maybe_stage[0]
      soff = pl.multiple_of(sid * 624, 8)
      pltpu.sync_copy(u_hbm.at[pl.ds(soff, 624)],
                      u_tab.at[pl.ds(soff, 624)])
      @pl.when(sid == 0)
      def _():
        pltpu.sync_copy(u_hbm.at[pl.ds(9984, _N - 9984)],
                        u_tab.at[pl.ds(9984, _N - 9984)])
    else:
      u_tab = u_hbm
    icp0.wait()
    icp1.wait()
    plsc.subcore_barrier()

    def wait_gather(j, rows, gsem):
      pltpu.make_async_copy(u_tab.at[srci.at[j]], rows, gsem).wait()

    pltpu.async_copy(u_tab.at[srci.at[0]], rows0, gsem0)

    def step(jj, carry):
      j0 = 2 * jj
      j1 = j0 + 1
      pltpu.async_copy(u_tab.at[srci.at[j1]], rows1, gsem1)
      wait_gather(j0, rows0, gsem0)
      pltpu.sync_copy(rows0, accum.at[dsti.at[j0]], add=True)
      pltpu.async_copy(u_tab.at[srci.at[j0 + 2]], rows0, gsem0)
      wait_gather(j1, rows1, gsem1)
      pltpu.sync_copy(rows1, accum.at[dsti.at[j1]], add=True)
      return carry

    lax.fori_loop(0, (_NBLK - 1) // 2, step, 0)
    j_last = _NBLK - 1
    wait_gather(j_last, rows0, gsem0)
    pltpu.sync_copy(rows0, accum.at[dsti.at[j_last]], add=True)
    plsc.subcore_barrier()
    pltpu.sync_copy(accum.at[pl.ds(roff, _RPT)],
                    out_hbm.at[cid, pl.ds(roff, _RPT)])

  return pl.kernel(body, out_type=out_type, mesh=_SC_MESH,
                   scratch_types=scratch, compiler_params=_SC_PARAMS)


def _make_sc_cnt():
  out_type = [jax.ShapeDtypeStruct((_NC, _NPAD, _CW), jnp.float32)]
  scratch = [
      pltpu.VMEM((_NBLK, _K), jnp.int32),
      pltpu.VMEM((_K, _CW), jnp.float32),
      pltpu.VMEM_SHARED((_NPAD, _CW), jnp.float32),
      pltpu.SemaphoreType.DMA,
  ]

  def body(dst_hbm, zc_hbm, ones_hbm, cnt_hbm, dsti, ones, cacc, sem):
    cid = lax.axis_index("c")
    sid = lax.axis_index("s")
    wid = cid * _NS + sid
    roff = pl.multiple_of(sid * _RPT, 8)
    icp = pltpu.async_copy(dst_hbm.at[wid], dsti, sem)
    pltpu.sync_copy(zc_hbm.at[pl.ds(roff, _RPT)],
                    cacc.at[pl.ds(roff, _RPT)])
    pltpu.sync_copy(ones_hbm, ones)
    icp.wait()
    plsc.subcore_barrier()

    def step(j, carry):
      pltpu.sync_copy(ones, cacc.at[dsti.at[j]], add=True)
      return carry

    lax.fori_loop(0, _NBLK, step, 0)
    plsc.subcore_barrier()
    pltpu.sync_copy(cacc.at[pl.ds(roff, _RPT)],
                    cnt_hbm.at[cid, pl.ds(roff, _RPT)])

  return pl.kernel(body, out_type=out_type, mesh=_SC_MESH,
                   scratch_types=scratch, compiler_params=_SC_PARAMS)


_sc_agg0 = _make_sc_agg(_DHID)
_sc_agg1 = _make_sc_agg(_DOUT, stage_src=True)
_sc_cnt = _make_sc_cnt()


def _tc_mm(x, W):
  din = x.shape[1]
  dout = W.shape[1]

  def body(x_ref, w_ref, o_ref):
    o_ref[...] = jnp.dot(x_ref[...], w_ref[...],
                         preferred_element_type=jnp.float32)

  return pl.pallas_call(
      body,
      grid=(_G,),
      in_specs=[
          pl.BlockSpec((_BLK, din), lambda i: (i, 0)),
          pl.BlockSpec((din, dout), lambda i: (0, 0)),
      ],
      out_specs=pl.BlockSpec((_BLK, dout), lambda i: (i, 0)),
      out_shape=jax.ShapeDtypeStruct((_N, dout), jnp.float32),
  )(x, W)


def _tc_mid(S0, C0, xr0, b0, W_l1, W_r1):
  def body(s_ref, c_ref, xr, b, wl, wr, u1, hr):
    s = s_ref[0] + s_ref[1]
    c = c_ref[0][:, 0:1] + c_ref[1][:, 0:1]
    inv = 1.0 / jnp.maximum(c, 1.0)
    h = jnp.maximum(s * inv + xr[...] + b[...], 0.0)
    u1[...] = jnp.dot(h, wl[...], preferred_element_type=jnp.float32)
    hr[...] = jnp.dot(h, wr[...], preferred_element_type=jnp.float32)

  return pl.pallas_call(
      body,
      grid=(_G,),
      in_specs=[
          pl.BlockSpec((_NC, _BLK, _DHID), lambda i: (0, i, 0)),
          pl.BlockSpec((_NC, _BLK, _CW), lambda i: (0, i, 0)),
          pl.BlockSpec((_BLK, _DHID), lambda i: (i, 0)),
          pl.BlockSpec((1, _DHID), lambda i: (0, 0)),
          pl.BlockSpec((_DHID, _DOUT), lambda i: (0, 0)),
          pl.BlockSpec((_DHID, _DOUT), lambda i: (0, 0)),
      ],
      out_specs=[pl.BlockSpec((_BLK, _DOUT), lambda i: (i, 0))] * 2,
      out_shape=[jax.ShapeDtypeStruct((_N, _DOUT), jnp.float32)] * 2,
  )(S0, C0, xr0, b0, W_l1, W_r1)


def _tc_out(S1, C0, hr1, b1):
  def body(s_ref, c_ref, hr, b, o_ref):
    s = s_ref[0] + s_ref[1]
    c = c_ref[0][:, 0:1] + c_ref[1][:, 0:1]
    inv = 1.0 / jnp.maximum(c, 1.0)
    z = s * inv + hr[...] + b[...]
    m = jnp.max(z, axis=1, keepdims=True)
    e = jnp.exp(z - m)
    o_ref[...] = (z - m) - jnp.log(jnp.sum(e, axis=1, keepdims=True))

  return pl.pallas_call(
      body,
      grid=(_G,),
      in_specs=[
          pl.BlockSpec((_NC, _BLK, _DOUT), lambda i: (0, i, 0)),
          pl.BlockSpec((_NC, _BLK, _CW), lambda i: (0, i, 0)),
          pl.BlockSpec((_BLK, _DOUT), lambda i: (i, 0)),
          pl.BlockSpec((1, _DOUT), lambda i: (0, 0)),
      ],
      out_specs=pl.BlockSpec((_BLK, _DOUT), lambda i: (i, 0)),
      out_shape=jax.ShapeDtypeStruct((_N, _DOUT), jnp.float32),
  )(S1, C0, hr1, b1)


def kernel(x, adj, default_chunk_size, chunk_sizes_diff,
           W_l0, b_l0, W_r0, W_l1, b_l1, W_r1):
  del default_chunk_size, chunk_sizes_diff
  src = adj[0].reshape(_NW, _NBLK, _K)
  dst = adj[1].reshape(_NW, _NBLK, _K)
  zc = jnp.zeros((_NPAD, _CW), jnp.float32)
  ones_h = jnp.ones((_K, _CW), jnp.float32)
  cnt_out = _sc_cnt(dst, zc, ones_h)
  C0 = cnt_out[0] if isinstance(cnt_out, (list, tuple)) else cnt_out
  u0 = _tc_mm(x, W_l0)
  zrow0 = jnp.zeros((_NPAD, _DHID), jnp.float32)
  out0 = _sc_agg0(u0, src, dst, zrow0)
  S0 = out0[0] if isinstance(out0, (list, tuple)) else out0
  xr0 = _tc_mm(x, W_r0)
  b0 = b_l0.reshape(1, _DHID)
  b1 = b_l1.reshape(1, _DOUT)
  u1, hr1 = _tc_mid(S0, C0, xr0, b0, W_l1, W_r1)
  zrow1 = jnp.zeros((_NPAD, _DOUT), jnp.float32)
  out1 = _sc_agg1(u1, src, dst, zrow1)
  S1 = out1[0] if isinstance(out1, (list, tuple)) else out1
  return _tc_out(S1, C0, hr1, b1)

# --- scband reference (transcript-rebuilt; emitter-appended) ---
"""Pipeline reference for scband-sage-11364483465234 (READ-ONLY COPY).

The authoritative reference and input builder live on the scoring server;
editing this copy changes nothing except your own understanding.
"""

import jax, jax.numpy as jnp
import numpy as np

N = 10000
E = 320000
D_IN = 128
D_HID = 128
D_OUT = 64


def _segment_mean(vals, ids, num_segments):
    s = jax.ops.segment_sum(vals, ids, num_segments=num_segments)
    cnt = jax.ops.segment_sum(jnp.ones((ids.shape[0],), dtype=vals.dtype), ids, num_segments=num_segments)
    return s / jnp.maximum(cnt, 1.0)[:, None]


def setup_inputs(seed: int = 0) -> dict:
    key = jax.random.key(seed)
    ks = jax.random.split(key, 10)
    x = jax.random.normal(ks[0], (N, D_IN), dtype=jnp.float32)
    adj = jax.random.randint(ks[1], (2, E), 0, N, dtype=jnp.int32)
    # SAGEConv layer 0: lin_l (bias=True), lin_r (bias=False)
    W_l0 = jax.random.normal(ks[2], (D_IN, D_HID), dtype=jnp.float32) * 0.05
    b_l0 = jnp.zeros((D_HID,), dtype=jnp.float32)
    W_r0 = jax.random.normal(ks[3], (D_IN, D_HID), dtype=jnp.float32) * 0.05
    # SAGEConv layer 1 (output layer)
    W_l1 = jax.random.normal(ks[4], (D_HID, D_OUT), dtype=jnp.float32) * 0.05
    b_l1 = jnp.zeros((D_OUT,), dtype=jnp.float32)
    W_r1 = jax.random.normal(ks[5], (D_HID, D_OUT), dtype=jnp.float32) * 0.05
    return {
        "x": x,
        "adj": adj,
        "default_chunk_size": N,
        "chunk_sizes_diff": 0,
        "W_l0": W_l0,
        "b_l0": b_l0,
        "W_r0": W_r0,
        "W_l1": W_l1,
        "b_l1": b_l1,
        "W_r1": W_r1,
    }


def reference(x, adj, default_chunk_size, chunk_sizes_diff, W_l0, b_l0, W_r0, W_l1, b_l1, W_r1):
    # Eval mode: F.dropout(p=0.2, training=False) is identity.
    # Single-device run: all_gather_padding with world_size=1 and chunk_sizes_diff=0 is identity.
    src = adj[0]
    dst = adj[1]
    # layer 0: matmul(adj, x, reduce='mean') -> mean aggregation of src features into dst
    agg0 = _segment_mean(x[src], dst, N)
    h = agg0 @ W_l0 + b_l0 + x @ W_r0
    h = jax.nn.relu(h)
    # layer 1 (last layer, no relu)
    agg1 = _segment_mean(h[src], dst, N)
    out = agg1 @ W_l1 + b_l1 + h @ W_r1
    return jax.nn.log_softmax(out, axis=1)

if __name__ == "__main__":
    import jax
    _d = setup_inputs()
    print(jax.jit(kernel)(*tuple(_d.values())))

</pallas_src>

<mosaic_0001>
#map = affine_map<(d0, d1) -> (0, 0)>
#map1 = affine_map<(d0, d1) -> (0, 0, 0)>
module attributes {stable_mosaic.version = 14 : i64} {
  func.func @body(%arg0: i32, %arg1: i32, %arg2: memref<10000x128xf32, #tpu.memory_space<hbm>>, %arg3: memref<32x125x80xi32, #tpu.memory_space<hbm>>, %arg4: memref<32x125x80xi32, #tpu.memory_space<hbm>>, %arg5: memref<10240x128xf32, #tpu.memory_space<hbm>>, %arg6: memref<2x10240x128xf32, #tpu.memory_space<hbm>>, %arg7: memref<125x80xi32, #tpu.memory_space<vmem>>, %arg8: memref<125x80xi32, #tpu.memory_space<vmem>>, %arg9: memref<80x128xf32, #tpu.memory_space<vmem>>, %arg10: memref<80x128xf32, #tpu.memory_space<vmem>>, %arg11: memref<10240x128xf32, #tpu.memory_space<vmem_shared>>, %arg12: memref<!tpu.dma_semaphore, #tpu.memory_space<semaphore_mem>>, %arg13: memref<!tpu.dma_semaphore, #tpu.memory_space<semaphore_mem>>) attributes {dimension_semantics = [#tpu.dimension_semantics<core_parallel>, #tpu.dimension_semantics<subcore_parallel>], iteration_bounds = array<i64: 2, 16>, scalar_prefetch = 0 : i64, scratch_operands = 7 : i64, tpu.core_type = #tpu.core_type<sc_vector_subcore>, window_params = [{transform_indices = #map}, {transform_indices = #map1}, {transform_indices = #map1}, {transform_indices = #map}, {transform_indices = #map1}]} {
    %mul3A = arith.constant 16 : i32
    %mul3A_0 = arith.muli %arg0, %mul3A : i32
    %add3A = arith.addi %mul3A_0, %arg1 : i32
    %mul3A_1 = arith.constant 640 : i32
    %mul3A_2 = arith.muli %arg1, %mul3A_1 : i32
    %multiple_of3A = tpu.assume_multiple %mul3A_2, 8 : i32
    %dma_start3A = arith.constant 0 : i32
    %dma_start3A_3 = arith.constant 0 : i32
    %dma_start3A_4 = tpu.memref_slice %arg3[%add3A, %dma_start3A, %dma_start3A_3] : memref<32x125x80xi32, #tpu.memory_space<hbm>> -> memref<1x125x80xi32, #tpu.memory_space<hbm>>
    %dma_start3A_5 = tpu.memref_squeeze %dma_start3A_4 : memref<1x125x80xi32, #tpu.memory_space<hbm>> -> memref<125x80xi32, #tpu.memory_space<hbm>>
    %dma_start3A_6 = arith.constant 0 : i32
    %dma_start3A_7 = arith.constant 0 : i32
    %dma_start3A_8 = tpu.memref_slice %arg3[%add3A, %dma_start3A_6, %dma_start3A_7] : memref<32x125x80xi32, #tpu.memory_space<hbm>> -> memref<1x125x80xi32, #tpu.memory_space<hbm>>
    %dma_start3A_9 = tpu.memref_squeeze %dma_start3A_8 : memref<1x125x80xi32, #tpu.memory_space<hbm>> -> memref<125x80xi32, #tpu.memory_space<hbm>>
    tpu.enqueue_dma source(%dma_start3A_9 : memref<125x80xi32, #tpu.memory_space<hbm>>) target(%arg7 : memref<125x80xi32, #tpu.memory_space<vmem>>) target_semaphore(%arg12 : memref<!tpu.dma_semaphore, #tpu.memory_space<semaphore_mem>>)
    %dma_start3A_10 = arith.constant 0 : i32
    %dma_start3A_11 = arith.constant 0 : i32
    %dma_start3A_12 = tpu.memref_slice %arg4[%add3A, %dma_start3A_10, %dma_start3A_11] : memref<32x125x80xi32, #tpu.memory_space<hbm>> -> memref<1x125x80xi32, #tpu.memory_space<hbm>>
    %dma_start3A_13 = tpu.memref_squeeze %dma_start3A_12 : memref<1x125x80xi32, #tpu.memory_space<hbm>> -> memref<125x80xi32, #tpu.memory_space<hbm>>
    %dma_start3A_14 = arith.constant 0 : i32
    %dma_start3A_15 = arith.constant 0 : i32
    %dma_start3A_16 = tpu.memref_slice %arg4[%add3A, %dma_start3A_14, %dma_start3A_15] : memref<32x125x80xi32, #tpu.memory_space<hbm>> -> memref<1x125x80xi32, #tpu.memory_space<hbm>>
    %dma_start3A_17 = tpu.memref_squeeze %dma_start3A_16 : memref<1x125x80xi32, #tpu.memory_space<hbm>> -> memref<125x80xi32, #tpu.memory_space<hbm>>
    tpu.enqueue_dma source(%dma_start3A_17 : memref<125x80xi32, #tpu.memory_space<hbm>>) target(%arg8 : memref<125x80xi32, #tpu.memory_space<vmem>>) target_semaphore(%arg13 : memref<!tpu.dma_semaphore, #tpu.memory_space<semaphore_mem>>)
    "tpu.region"() ({
      %run_scoped3A_53 = tpu.sem_alloc : memref<!tpu.dma_semaphore, #tpu.memory_space<semaphore_mem>>
      %dma_start3A_54 = arith.constant 0 : i32
      %dma_start3A_55 = tpu.memref_slice %arg11[%multiple_of3A, %dma_start3A_54] : memref<10240x128xf32, #tpu.memory_space<vmem_shared>> -> memref<640x128xf32, #tpu.memory_space<vmem_shared>>
      %dma_start3A_56 = arith.constant 0 : i32
      %dma_start3A_57 = tpu.memref_slice %arg5[%multiple_of3A, %dma_start3A_56] : memref<10240x128xf32, #tpu.memory_space<hbm>> -> memref<640x128xf32, #tpu.memory_space<hbm>>
      tpu.enqueue_dma source(%dma_start3A_57 : memref<640x128xf32, #tpu.memory_space<hbm>>) target(%dma_start3A_55 : memref<640x128xf32, #tpu.memory_space<vmem_shared>>) target_semaphore(%run_scoped3A_53 : memref<!tpu.dma_semaphore, #tpu.memory_space<semaphore_mem>>)
      %dma_wait3A_58 = arith.constant 0 : i32
      %dma_wait3A_59 = tpu.memref_slice %arg11[%multiple_of3A, %dma_wait3A_58] : memref<10240x128xf32, #tpu.memory_space<vmem_shared>> -> memref<640x128xf32, #tpu.memory_space<vmem_shared>>
      %dma_wait3A_60 = arith.constant 0 : i32
      %dma_wait3A_61 = tpu.memref_slice %arg5[%multiple_of3A, %dma_wait3A_60] : memref<10240x128xf32, #tpu.memory_space<hbm>> -> memref<640x128xf32, #tpu.memory_space<hbm>>
      tpu.wait_dma2 semaphore(%run_scoped3A_53 : memref<!tpu.dma_semaphore, #tpu.memory_space<semaphore_mem>>) src(%dma_wait3A_61 : memref<640x128xf32, #tpu.memory_space<hbm>>) dst(%dma_wait3A_59 : memref<640x128xf32, #tpu.memory_space<vmem_shared>>)
      tpu.yield
    }) : () -> ()
    %dma_wait3A = arith.constant 0 : i32
    %dma_wait3A_18 = arith.constant 0 : i32
    %dma_wait3A_19 = tpu.memref_slice %arg3[%add3A, %dma_wait3A, %dma_wait3A_18] : memref<32x125x80xi32, #tpu.memory_space<hbm>> -> memref<1x125x80xi32, #tpu.memory_space<hbm>>
    %dma_wait3A_20 = tpu.memref_squeeze %dma_wait3A_19 : memref<1x125x80xi32, #tpu.memory_space<hbm>> -> memref<125x80xi32, #tpu.memory_space<hbm>>
    %dma_wait3A_21 = arith.constant 0 : i32
    %dma_wait3A_22 = arith.constant 0 : i32
    %dma_wait3A_23 = tpu.memref_slice %arg3[%add3A, %dma_wait3A_21, %dma_wait3A_22] : memref<32x125x80xi32, #tpu.memory_space<hbm>> -> memref<1x125x80xi32, #tpu.memory_space<hbm>>
    %dma_wait3A_24 = tpu.memref_squeeze %dma_wait3A_23 : memref<1x125x80xi32, #tpu.memory_space<hbm>> -> memref<125x80xi32, #tpu.memory_space<hbm>>
    tpu.wait_dma2 semaphore(%arg12 : memref<!tpu.dma_semaphore, #tpu.memory_space<semaphore_mem>>) src(%dma_wait3A_24 : memref<125x80xi32, #tpu.memory_space<hbm>>) dst(%arg7 : memref<125x80xi32, #tpu.memory_space<vmem>>)
    %dma_wait3A_25 = arith.constant 0 : i32
    %dma_wait3A_26 = arith.constant 0 : i32
    %dma_wait3A_27 = tpu.memref_slice %arg4[%add3A, %dma_wait3A_25, %dma_wait3A_26] : memref<32x125x80xi32, #tpu.memory_space<hbm>> -> memref<1x125x80xi32, #tpu.memory_space<hbm>>
    %dma_wait3A_28 = tpu.memref_squeeze %dma_wait3A_27 : memref<1x125x80xi32, #tpu.memory_space<hbm>> -> memref<125x80xi32, #tpu.memory_space<hbm>>
    %dma_wait3A_29 = arith.constant 0 : i32
    %dma_wait3A_30 = arith.constant 0 : i32
    %dma_wait3A_31 = tpu.memref_slice %arg4[%add3A, %dma_wait3A_29, %dma_wait3A_30] : memref<32x125x80xi32, #tpu.memory_space<hbm>> -> memref<1x125x80xi32, #tpu.memory_space<hbm>>
    %dma_wait3A_32 = tpu.memref_squeeze %dma_wait3A_31 : memref<1x125x80xi32, #tpu.memory_space<hbm>> -> memref<125x80xi32, #tpu.memory_space<hbm>>
    tpu.wait_dma2 semaphore(%arg13 : memref<!tpu.dma_semaphore, #tpu.memory_space<semaphore_mem>>) src(%dma_wait3A_32 : memref<125x80xi32, #tpu.memory_space<hbm>>) dst(%arg8 : memref<125x80xi32, #tpu.memory_space<vmem>>)
    %barrier3A = arith.constant 0 : index
    tpu.barrier barrier_id(%barrier3A)
    %dma_start3A_33 = arith.constant 0 : i32
    %dma_start3A_34 = arith.constant 0 : i32
    %dma_start3A_35 = tpu.memref_slice %arg7[%dma_start3A_33, %dma_start3A_34] : memref<125x80xi32, #tpu.memory_space<vmem>> -> memref<1x80xi32, #tpu.memory_space<vmem>>
    %dma_start3A_36 = tpu.memref_squeeze %dma_start3A_35 : memref<1x80xi32, #tpu.memory_space<vmem>> -> memref<80xi32, #tpu.memory_space<vmem>>
    %dma_start3A_37 = arith.constant 0 : i32
    %dma_start3A_38 = arith.constant 0 : i32
    %dma_start3A_39 = tpu.memref_slice %arg2[%dma_start3A_37, %dma_start3A_38] : memref<10000x128xf32, #tpu.memory_space<hbm>> -> memref<10000x128xf32, #tpu.memory_space<hbm>>
    tpu.enqueue_indirect_dma source(%dma_start3A_39 : memref<10000x128xf32, #tpu.memory_space<hbm>>) target(%arg9 : memref<80x128xf32, #tpu.memory_space<vmem>>) offsets(%dma_start3A_36 : memref<80xi32, #tpu.memory_space<vmem>>) semaphore(%arg12 : memref<!tpu.dma_semaphore, #tpu.memory_space<semaphore_mem>>)
    %scan3A = arith.constant 0 : i32
    %scan3A_40 = arith.constant 0 : i32
    %scan3A_41 = arith.constant 62 : i32
    %scan3A_42 = arith.addi %scan3A_40, %scan3A_41 : i32
    %scan3A_43 = arith.constant 1 : i32
    scf.for %scan3A_53 = %scan3A_40 to %scan3A_42 step %scan3A_43  : i32 {
      %mul3A_54 = arith.constant 2 : i32
      %mul3A_55 = arith.muli %mul3A_54, %scan3A_53 : i32
      %add3A_56 = arith.constant 1 : i32
      %add3A_57 = arith.addi %mul3A_55, %add3A_56 : i32
      %dma_start3A_58 = arith.constant 0 : i32
      %dma_start3A_59 = tpu.memref_slice %arg7[%add3A_57, %dma_start3A_58] : memref<125x80xi32, #tpu.memory_space<vmem>> -> memref<1x80xi32, #tpu.memory_space<vmem>>
      %dma_start3A_60 = tpu.memref_squeeze %dma_start3A_59 : memref<1x80xi32, #tpu.memory_space<vmem>> -> memref<80xi32, #tpu.memory_space<vmem>>
      %dma_start3A_61 = arith.constant 0 : i32
      %dma_start3A_62 = arith.constant 0 : i32
      %dma_start3A_63 = tpu.memref_slice %arg2[%dma_start3A_61, %dma_start3A_62] : memref<10000x128xf32, #tpu.memory_space<hbm>> -> memref<10000x128xf32, #tpu.memory_space<hbm>>
      tpu.enqueue_indirect_dma source(%dma_start3A_63 : memref<10000x128xf32, #tpu.memory_space<hbm>>) target(%arg10 : memref<80x128xf32, #tpu.memory_space<vmem>>) offsets(%dma_start3A_60 : memref<80xi32, #tpu.memory_space<vmem>>) semaphore(%arg13 : memref<!tpu.dma_semaphore, #tpu.memory_space<semaphore_mem>>)
      %dma_wait3A_64 = arith.constant 0 : i32
      %dma_wait3A_65 = tpu.memref_slice %arg7[%mul3A_55, %dma_wait3A_64] : memref<125x80xi32, #tpu.memory_space<vmem>> -> memref<1x80xi32, #tpu.memory_space<vmem>>
      %dma_wait3A_66 = tpu.memref_squeeze %dma_wait3A_65 : memref<1x80xi32, #tpu.memory_space<vmem>> -> memref<80xi32, #tpu.memory_space<vmem>>
      %dma_wait3A_67 = arith.constant 0 : i32
      %dma_wait3A_68 = arith.constant 0 : i32
      %dma_wait3A_69 = tpu.memref_slice %arg2[%dma_wait3A_67, %dma_wait3A_68] : memref<10000x128xf32, #tpu.memory_space<hbm>> -> memref<10000x128xf32, #tpu.memory_space<hbm>>
      tpu.wait_indirect_dma semaphore(%arg12 : memref<!tpu.dma_semaphore, #tpu.memory_space<semaphore_mem>>) src(%dma_wait3A_69 : memref<10000x128xf32, #tpu.memory_space<hbm>>) dst(%arg9 : memref<80x128xf32, #tpu.memory_space<vmem>>)
      "tpu.region"() ({
        %run_scoped3A_84 = tpu.sem_alloc : memref<!tpu.dma_semaphore, #tpu.memory_space<semaphore_mem>>
        %dma_start3A_85 = arith.constant 0 : i32
        %dma_start3A_86 = tpu.memref_slice %arg8[%mul3A_55, %dma_start3A_85] : memref<125x80xi32, #tpu.memory_space<vmem>> -> memref<1x80xi32, #tpu.memory_space<vmem>>
        %dma_start3A_87 = tpu.memref_squeeze %dma_start3A_86 : memref<1x80xi32, #tpu.memory_space<vmem>> -> memref<80xi32, #tpu.memory_space<vmem>>
        %dma_start3A_88 = arith.constant 0 : i32
        %dma_start3A_89 = arith.constant 0 : i32
        %dma_start3A_90 = tpu.memref_slice %arg11[%dma_start3A_88, %dma_start3A_89] : memref<10240x128xf32, #tpu.memory_space<vmem_shared>> -> memref<10240x128xf32, #tpu.memory_space<vmem_shared>>
        tpu.enqueue_indirect_dma source(%arg9 : memref<80x128xf32, #tpu.memory_space<vmem>>) target(%dma_start3A_90 : memref<10240x128xf32, #tpu.memory_space<vmem_shared>>) offsets(%dma_start3A_87 : memref<80xi32, #tpu.memory_space<vmem>>) semaphore(%run_scoped3A_84 : memref<!tpu.dma_semaphore, #tpu.memory_space<semaphore_mem>>) {add = true}
        %dma_wait3A_91 = arith.constant 0 : i32
        %dma_wait3A_92 = tpu.memref_slice %arg8[%mul3A_55, %dma_wait3A_91] : memref<125x80xi32, #tpu.memory_space<vmem>> -> memref<1x80xi32, #tpu.memory_space<vmem>>
        %dma_wait3A_93 = tpu.memref_squeeze %dma_wait3A_92 : memref<1x80xi32, #tpu.memory_space<vmem>> -> memref<80xi32, #tpu.memory_space<vmem>>
        %dma_wait3A_94 = arith.constant 0 : i32
        %dma_wait3A_95 = arith.constant 0 : i32
        %dma_wait3A_96 = tpu.memref_slice %arg11[%dma_wait3A_94, %dma_wait3A_95] : memref<10240x128xf32, #tpu.memory_space<vmem_shared>> -> memref<10240x128xf32, #tpu.memory_space<vmem_shared>>
        tpu.wait_indirect_dma semaphore(%run_scoped3A_84 : memref<!tpu.dma_semaphore, #tpu.memory_space<semaphore_mem>>) src(%arg9 : memref<80x128xf32, #tpu.memory_space<vmem>>) dst(%dma_wait3A_96 : memref<10240x128xf32, #tpu.memory_space<vmem_shared>>)
        tpu.yield
      }) : () -> ()
      %add3A_70 = arith.constant 2 : i32
      %add3A_71 = arith.addi %mul3A_55, %add3A_70 : i32
      %dma_start3A_72 = arith.constant 0 : i32
      %dma_start3A_73 = tpu.memref_slice %arg7[%add3A_71, %dma_start3A_72] : memref<125x80xi32, #tpu.memory_space<vmem>> -> memref<1x80xi32, #tpu.memory_space<vmem>>
      %dma_start3A_74 = tpu.memref_squeeze %dma_start3A_73 : memref<1x80xi32, #tpu.memory_space<vmem>> -> memref<80xi32, #tpu.memory_space<vmem>>
      %dma_start3A_75 = arith.constant 0 : i32
      %dma_start3A_76 = arith.constant 0 : i32
      %dma_start3A_77 = tpu.memref_slice %arg2[%dma_start3A_75, %dma_start3A_76] : memref<10000x128xf32, #tpu.memory_space<hbm>> -> memref<10000x128xf32, #tpu.memory_space<hbm>>
      tpu.enqueue_indirect_dma source(%dma_start3A_77 : memref<10000x128xf32, #tpu.memory_space<hbm>>) target(%arg9 : memref<80x128xf32, #tpu.memory_space<vmem>>) offsets(%dma_start3A_74 : memref<80xi32, #tpu.memory_space<vmem>>) semaphore(%arg12 : memref<!tpu.dma_semaphore, #tpu.memory_space<semaphore_mem>>)
      %dma_wait3A_78 = arith.constant 0 : i32
      %dma_wait3A_79 = tpu.memref_slice %arg7[%add3A_57, %dma_wait3A_78] : memref<125x80xi32, #tpu.memory_space<vmem>> -> memref<1x80xi32, #tpu.memory_space<vmem>>
      %dma_wait3A_80 = tpu.memref_squeeze %dma_wait3A_79 : memref<1x80xi32, #tpu.memory_space<vmem>> -> memref<80xi32, #tpu.memory_space<vmem>>
      %dma_wait3A_81 = arith.constant 0 : i32
      %dma_wait3A_82 = arith.constant 0 : i32
      %dma_wait3A_83 = tpu.memref_slice %arg2[%dma_wait3A_81, %dma_wait3A_82] : memref<10000x128xf32, #tpu.memory_space<hbm>> -> memref<10000x128xf32, #tpu.memory_space<hbm>>
      tpu.wait_indirect_dma semaphore(%arg13 : memref<!tpu.dma_semaphore, #tpu.memory_space<semaphore_mem>>) src(%dma_wait3A_83 : memref<10000x128xf32, #tpu.memory_space<hbm>>) dst(%arg10 : memref<80x128xf32, #tpu.memory_space<vmem>>)
      "tpu.region"() ({
        %run_scoped3A_84 = tpu.sem_alloc : memref<!tpu.dma_semaphore, #tpu.memory_space<semaphore_mem>>
        %dma_start3A_85 = arith.constant 0 : i32
        %dma_start3A_86 = tpu.memref_slice %arg8[%add3A_57, %dma_start3A_85] : memref<125x80xi32, #tpu.memory_space<vmem>> -> memref<1x80xi32, #tpu.memory_space<vmem>>
        %dma_start3A_87 = tpu.memref_squeeze %dma_start3A_86 : memref<1x80xi32, #tpu.memory_space<vmem>> -> memref<80xi32, #tpu.memory_space<vmem>>
        %dma_start3A_88 = arith.constant 0 : i32
        %dma_start3A_89 = arith.constant 0 : i32
        %dma_start3A_90 = tpu.memref_slice %arg11[%dma_start3A_88, %dma_start3A_89] : memref<10240x128xf32, #tpu.memory_space<vmem_shared>> -> memref<10240x128xf32, #tpu.memory_space<vmem_shared>>
        tpu.enqueue_indirect_dma source(%arg10 : memref<80x128xf32, #tpu.memory_space<vmem>>) target(%dma_start3A_90 : memref<10240x128xf32, #tpu.memory_space<vmem_shared>>) offsets(%dma_start3A_87 : memref<80xi32, #tpu.memory_space<vmem>>) semaphore(%run_scoped3A_84 : memref<!tpu.dma_semaphore, #tpu.memory_space<semaphore_mem>>) {add = true}
        %dma_wait3A_91 = arith.constant 0 : i32
        %dma_wait3A_92 = tpu.memref_slice %arg8[%add3A_57, %dma_wait3A_91] : memref<125x80xi32, #tpu.memory_space<vmem>> -> memref<1x80xi32, #tpu.memory_space<vmem>>
        %dma_wait3A_93 = tpu.memref_squeeze %dma_wait3A_92 : memref<1x80xi32, #tpu.memory_space<vmem>> -> memref<80xi32, #tpu.memory_space<vmem>>
        %dma_wait3A_94 = arith.constant 0 : i32
        %dma_wait3A_95 = arith.constant 0 : i32
        %dma_wait3A_96 = tpu.memref_slice %arg11[%dma_wait3A_94, %dma_wait3A_95] : memref<10240x128xf32, #tpu.memory_space<vmem_shared>> -> memref<10240x128xf32, #tpu.memory_space<vmem_shared>>
        tpu.wait_indirect_dma semaphore(%run_scoped3A_84 : memref<!tpu.dma_semaphore, #tpu.memory_space<semaphore_mem>>) src(%arg10 : memref<80x128xf32, #tpu.memory_space<vmem>>) dst(%dma_wait3A_96 : memref<10240x128xf32, #tpu.memory_space<vmem_shared>>)
        tpu.yield
      }) : () -> ()
    }
    %scan3A_44 = arith.constant 62 : i32
    %dma_wait3A_45 = arith.constant 124 : i32
    %dma_wait3A_46 = arith.constant 0 : i32
    %dma_wait3A_47 = tpu.memref_slice %arg7[%dma_wait3A_45, %dma_wait3A_46] : memref<125x80xi32, #tpu.memory_space<vmem>> -> memref<1x80xi32, #tpu.memory_space<vmem>>
    %dma_wait3A_48 = tpu.memref_squeeze %dma_wait3A_47 : memref<1x80xi32, #tpu.memory_space<vmem>> -> memref<80xi32, #tpu.memory_space<vmem>>
    %dma_wait3A_49 = arith.constant 0 : i32
    %dma_wait3A_50 = arith.constant 0 : i32
    %dma_wait3A_51 = tpu.memref_slice %arg2[%dma_wait3A_49, %dma_wait3A_50] : memref<10000x128xf32, #tpu.memory_space<hbm>> -> memref<10000x128xf32, #tpu.memory_space<hbm>>
    tpu.wait_indirect_dma semaphore(%arg12 : memref<!tpu.dma_semaphore, #tpu.memory_space<semaphore_mem>>) src(%dma_wait3A_51 : memref<10000x128xf32, #tpu.memory_space<hbm>>) dst(%arg9 : memref<80x128xf32, #tpu.memory_space<vmem>>)
    %run_scoped3A = arith.constant 124 : i32
    "tpu.region"() ({
      %run_scoped3A_53 = tpu.sem_alloc : memref<!tpu.dma_semaphore, #tpu.memory_space<semaphore_mem>>
      %dma_start3A_54 = arith.constant 0 : i32
      %dma_start3A_55 = tpu.memref_slice %arg8[%run_scoped3A, %dma_start3A_54] : memref<125x80xi32, #tpu.memory_space<vmem>> -> memref<1x80xi32, #tpu.memory_space<vmem>>
      %dma_start3A_56 = tpu.memref_squeeze %dma_start3A_55 : memref<1x80xi32, #tpu.memory_space<vmem>> -> memref<80xi32, #tpu.memory_space<vmem>>
      %dma_start3A_57 = arith.constant 0 : i32
      %dma_start3A_58 = arith.constant 0 : i32
      %dma_start3A_59 = tpu.memref_slice %arg11[%dma_start3A_57, %dma_start3A_58] : memref<10240x128xf32, #tpu.memory_space<vmem_shared>> -> memref<10240x128xf32, #tpu.memory_space<vmem_shared>>
      tpu.enqueue_indirect_dma source(%arg9 : memref<80x128xf32, #tpu.memory_space<vmem>>) target(%dma_start3A_59 : memref<10240x128xf32, #tpu.memory_space<vmem_shared>>) offsets(%dma_start3A_56 : memref<80xi32, #tpu.memory_space<vmem>>) semaphore(%run_scoped3A_53 : memref<!tpu.dma_semaphore, #tpu.memory_space<semaphore_mem>>) {add = true}
      %dma_wait3A_60 = arith.constant 0 : i32
      %dma_wait3A_61 = tpu.memref_slice %arg8[%run_scoped3A, %dma_wait3A_60] : memref<125x80xi32, #tpu.memory_space<vmem>> -> memref<1x80xi32, #tpu.memory_space<vmem>>
      %dma_wait3A_62 = tpu.memref_squeeze %dma_wait3A_61 : memref<1x80xi32, #tpu.memory_space<vmem>> -> memref<80xi32, #tpu.memory_space<vmem>>
      %dma_wait3A_63 = arith.constant 0 : i32
      %dma_wait3A_64 = arith.constant 0 : i32
      %dma_wait3A_65 = tpu.memref_slice %arg11[%dma_wait3A_63, %dma_wait3A_64] : memref<10240x128xf32, #tpu.memory_space<vmem_shared>> -> memref<10240x128xf32, #tpu.memory_space<vmem_shared>>
      tpu.wait_indirect_dma semaphore(%run_scoped3A_53 : memref<!tpu.dma_semaphore, #tpu.memory_space<semaphore_mem>>) src(%arg9 : memref<80x128xf32, #tpu.memory_space<vmem>>) dst(%dma_wait3A_65 : memref<10240x128xf32, #tpu.memory_space<vmem_shared>>)
      tpu.yield
    }) : () -> ()
    %barrier3A_52 = arith.constant 0 : index
    tpu.barrier barrier_id(%barrier3A_52)
    "tpu.region"() ({
      %run_scoped3A_53 = tpu.sem_alloc : memref<!tpu.dma_semaphore, #tpu.memory_space<semaphore_mem>>
      %dma_start3A_54 = arith.constant 0 : i32
      %dma_start3A_55 = tpu.memref_slice %arg6[%arg0, %multiple_of3A, %dma_start3A_54] : memref<2x10240x128xf32, #tpu.memory_space<hbm>> -> memref<1x640x128xf32, #tpu.memory_space<hbm>>
      %dma_start3A_56 = tpu.memref_squeeze %dma_start3A_55 : memref<1x640x128xf32, #tpu.memory_space<hbm>> -> memref<640x128xf32, #tpu.memory_space<hbm>>
      %dma_start3A_57 = arith.constant 0 : i32
      %dma_start3A_58 = tpu.memref_slice %arg11[%multiple_of3A, %dma_start3A_57] : memref<10240x128xf32, #tpu.memory_space<vmem_shared>> -> memref<640x128xf32, #tpu.memory_space<vmem_shared>>
      tpu.enqueue_dma source(%dma_start3A_58 : memref<640x128xf32, #tpu.memory_space<vmem_shared>>) target(%dma_start3A_56 : memref<640x128xf32, #tpu.memory_space<hbm>>) target_semaphore(%run_scoped3A_53 : memref<!tpu.dma_semaphore, #tpu.memory_space<semaphore_mem>>)
      %dma_wait3A_59 = arith.constant 0 : i32
      %dma_wait3A_60 = tpu.memref_slice %arg6[%arg0, %multiple_of3A, %dma_wait3A_59] : memref<2x10240x128xf32, #tpu.memory_space<hbm>> -> memref<1x640x128xf32, #tpu.memory_space<hbm>>
      %dma_wait3A_61 = tpu.memref_squeeze %dma_wait3A_60 : memref<1x640x128xf32, #tpu.memory_space<hbm>> -> memref<640x128xf32, #tpu.memory_space<hbm>>
      %dma_wait3A_62 = arith.constant 0 : i32
      %dma_wait3A_63 = tpu.memref_slice %arg11[%multiple_of3A, %dma_wait3A_62] : memref<10240x128xf32, #tpu.memory_space<vmem_shared>> -> memref<640x128xf32, #tpu.memory_space<vmem_shared>>
      tpu.wait_dma2 semaphore(%run_scoped3A_53 : memref<!tpu.dma_semaphore, #tpu.memory_space<semaphore_mem>>) src(%dma_wait3A_63 : memref<640x128xf32, #tpu.memory_space<vmem_shared>>) dst(%dma_wait3A_61 : memref<640x128xf32, #tpu.memory_space<hbm>>)
      tpu.yield
    }) : () -> ()
    return
  }
}

#map = affine_map<(d0, d1) -> (0, 0)>
#map1 = affine_map<(d0, d1) -> (0, 0, 0)>
module attributes {stable_mosaic.version = 14 : i64} {
  func.func @body(%arg0: i32, %arg1: i32, %arg2: memref<10000x64xf32, #tpu.memory_space<hbm>>, %arg3: memref<32x125x80xi32, #tpu.memory_space<hbm>>, %arg4: memref<32x125x80xi32, #tpu.memory_space<hbm>>, %arg5: memref<10240x64xf32, #tpu.memory_space<hbm>>, %arg6: memref<2x10240x64xf32, #tpu.memory_space<hbm>>, %arg7: memref<125x80xi32, #tpu.memory_space<vmem>>, %arg8: memref<125x80xi32, #tpu.memory_space<vmem>>, %arg9: memref<80x64xf32, #tpu.memory_space<vmem>>, %arg10: memref<80x64xf32, #tpu.memory_space<vmem>>, %arg11: memref<10240x64xf32, #tpu.memory_space<vmem_shared>>, %arg12: memref<!tpu.dma_semaphore, #tpu.memory_space<semaphore_mem>>, %arg13: memref<!tpu.dma_semaphore, #tpu.memory_space<semaphore_mem>>, %arg14: memref<10000x64xf32, #tpu.memory_space<vmem_shared>>) attributes {dimension_semantics = [#tpu.dimension_semantics<core_parallel>, #tpu.dimension_semantics<subcore_parallel>], iteration_bounds = array<i64: 2, 16>, scalar_prefetch = 0 : i64, scratch_operands = 8 : i64, tpu.core_type = #tpu.core_type<sc_vector_subcore>, window_params = [{transform_indices = #map}, {transform_indices = #map1}, {transform_indices = #map1}, {transform_indices = #map}, {transform_indices = #map1}]} {
    %mul3A = arith.constant 16 : i32
    %mul3A_0 = arith.muli %arg0, %mul3A : i32
    %add3A = arith.addi %mul3A_0, %arg1 : i32
    %mul3A_1 = arith.constant 640 : i32
    %mul3A_2 = arith.muli %arg1, %mul3A_1 : i32
    %multiple_of3A = tpu.assume_multiple %mul3A_2, 8 : i32
    %dma_start3A = arith.constant 0 : i32
    %dma_start3A_3 = arith.constant 0 : i32
    %dma_start3A_4 = tpu.memref_slice %arg3[%add3A, %dma_start3A, %dma_start3A_3] : memref<32x125x80xi32, #tpu.memory_space<hbm>> -> memref<1x125x80xi32, #tpu.memory_space<hbm>>
    %dma_start3A_5 = tpu.memref_squeeze %dma_start3A_4 : memref<1x125x80xi32, #tpu.memory_space<hbm>> -> memref<125x80xi32, #tpu.memory_space<hbm>>
    %dma_start3A_6 = arith.constant 0 : i32
    %dma_start3A_7 = arith.constant 0 : i32
    %dma_start3A_8 = tpu.memref_slice %arg3[%add3A, %dma_start3A_6, %dma_start3A_7] : memref<32x125x80xi32, #tpu.memory_space<hbm>> -> memref<1x125x80xi32, #tpu.memory_space<hbm>>
    %dma_start3A_9 = tpu.memref_squeeze %dma_start3A_8 : memref<1x125x80xi32, #tpu.memory_space<hbm>> -> memref<125x80xi32, #tpu.memory_space<hbm>>
    tpu.enqueue_dma source(%dma_start3A_9 : memref<125x80xi32, #tpu.memory_space<hbm>>) target(%arg7 : memref<125x80xi32, #tpu.memory_space<vmem>>) target_semaphore(%arg12 : memref<!tpu.dma_semaphore, #tpu.memory_space<semaphore_mem>>)
    %dma_start3A_10 = arith.constant 0 : i32
    %dma_start3A_11 = arith.constant 0 : i32
    %dma_start3A_12 = tpu.memref_slice %arg4[%add3A, %dma_start3A_10, %dma_start3A_11] : memref<32x125x80xi32, #tpu.memory_space<hbm>> -> memref<1x125x80xi32, #tpu.memory_space<hbm>>
    %dma_start3A_13 = tpu.memref_squeeze %dma_start3A_12 : memref<1x125x80xi32, #tpu.memory_space<hbm>> -> memref<125x80xi32, #tpu.memory_space<hbm>>
    %dma_start3A_14 = arith.constant 0 : i32
    %dma_start3A_15 = arith.constant 0 : i32
    %dma_start3A_16 = tpu.memref_slice %arg4[%add3A, %dma_start3A_14, %dma_start3A_15] : memref<32x125x80xi32, #tpu.memory_space<hbm>> -> memref<1x125x80xi32, #tpu.memory_space<hbm>>
    %dma_start3A_17 = tpu.memref_squeeze %dma_start3A_16 : memref<1x125x80xi32, #tpu.memory_space<hbm>> -> memref<125x80xi32, #tpu.memory_space<hbm>>
    tpu.enqueue_dma source(%dma_start3A_17 : memref<125x80xi32, #tpu.memory_space<hbm>>) target(%arg8 : memref<125x80xi32, #tpu.memory_space<vmem>>) target_semaphore(%arg13 : memref<!tpu.dma_semaphore, #tpu.memory_space<semaphore_mem>>)
    "tpu.region"() ({
      %run_scoped3A_58 = tpu.sem_alloc : memref<!tpu.dma_semaphore, #tpu.memory_space<semaphore_mem>>
      %dma_start3A_59 = arith.constant 0 : i32
      %dma_start3A_60 = tpu.memref_slice %arg11[%multiple_of3A, %dma_start3A_59] : memref<10240x64xf32, #tpu.memory_space<vmem_shared>> -> memref<640x64xf32, #tpu.memory_space<vmem_shared>>
      %dma_start3A_61 = arith.constant 0 : i32
      %dma_start3A_62 = tpu.memref_slice %arg5[%multiple_of3A, %dma_start3A_61] : memref<10240x64xf32, #tpu.memory_space<hbm>> -> memref<640x64xf32, #tpu.memory_space<hbm>>
      tpu.enqueue_dma source(%dma_start3A_62 : memref<640x64xf32, #tpu.memory_space<hbm>>) target(%dma_start3A_60 : memref<640x64xf32, #tpu.memory_space<vmem_shared>>) target_semaphore(%run_scoped3A_58 : memref<!tpu.dma_semaphore, #tpu.memory_space<semaphore_mem>>)
      %dma_wait3A_63 = arith.constant 0 : i32
      %dma_wait3A_64 = tpu.memref_slice %arg11[%multiple_of3A, %dma_wait3A_63] : memref<10240x64xf32, #tpu.memory_space<vmem_shared>> -> memref<640x64xf32, #tpu.memory_space<vmem_shared>>
      %dma_wait3A_65 = arith.constant 0 : i32
      %dma_wait3A_66 = tpu.memref_slice %arg5[%multiple_of3A, %dma_wait3A_65] : memref<10240x64xf32, #tpu.memory_space<hbm>> -> memref<640x64xf32, #tpu.memory_space<hbm>>
      tpu.wait_dma2 semaphore(%run_scoped3A_58 : memref<!tpu.dma_semaphore, #tpu.memory_space<semaphore_mem>>) src(%dma_wait3A_66 : memref<640x64xf32, #tpu.memory_space<hbm>>) dst(%dma_wait3A_64 : memref<640x64xf32, #tpu.memory_space<vmem_shared>>)
      tpu.yield
    }) : () -> ()
    %mul3A_18 = arith.constant 624 : i32
    %mul3A_19 = arith.muli %arg1, %mul3A_18 : i32
    %multiple_of3A_20 = tpu.assume_multiple %mul3A_19, 8 : i32
    "tpu.region"() ({
      %run_scoped3A_58 = tpu.sem_alloc : memref<!tpu.dma_semaphore, #tpu.memory_space<semaphore_mem>>
      %dma_start3A_59 = arith.constant 0 : i32
      %dma_start3A_60 = tpu.memref_slice %arg14[%multiple_of3A_20, %dma_start3A_59] : memref<10000x64xf32, #tpu.memory_space<vmem_shared>> -> memref<624x64xf32, #tpu.memory_space<vmem_shared>>
      %dma_start3A_61 = arith.constant 0 : i32
      %dma_start3A_62 = tpu.memref_slice %arg2[%multiple_of3A_20, %dma_start3A_61] : memref<10000x64xf32, #tpu.memory_space<hbm>> -> memref<624x64xf32, #tpu.memory_space<hbm>>
      tpu.enqueue_dma source(%dma_start3A_62 : memref<624x64xf32, #tpu.memory_space<hbm>>) target(%dma_start3A_60 : memref<624x64xf32, #tpu.memory_space<vmem_shared>>) target_semaphore(%run_scoped3A_58 : memref<!tpu.dma_semaphore, #tpu.memory_space<semaphore_mem>>)
      %dma_wait3A_63 = arith.constant 0 : i32
      %dma_wait3A_64 = tpu.memref_slice %arg14[%multiple_of3A_20, %dma_wait3A_63] : memref<10000x64xf32, #tpu.memory_space<vmem_shared>> -> memref<624x64xf32, #tpu.memory_space<vmem_shared>>
      %dma_wait3A_65 = arith.constant 0 : i32
      %dma_wait3A_66 = tpu.memref_slice %arg2[%multiple_of3A_20, %dma_wait3A_65] : memref<10000x64xf32, #tpu.memory_space<hbm>> -> memref<624x64xf32, #tpu.memory_space<hbm>>
      tpu.wait_dma2 semaphore(%run_scoped3A_58 : memref<!tpu.dma_semaphore, #tpu.memory_space<semaphore_mem>>) src(%dma_wait3A_66 : memref<624x64xf32, #tpu.memory_space<hbm>>) dst(%dma_wait3A_64 : memref<624x64xf32, #tpu.memory_space<vmem_shared>>)
      tpu.yield
    }) : () -> ()
    %eq3A = arith.constant 0 : i32
    %eq3A_21 = arith.cmpi eq, %arg1, %eq3A : i32
    %convert_element_type3A = arith.extui %eq3A_21 : i1 to i32
    %cond3A = arith.constant 0 : i32
    %cond3A_22 = arith.cmpi ne, %convert_element_type3A, %cond3A : i32
    scf.if %cond3A_22 {
      "tpu.region"() ({
        %run_scoped3A_58 = tpu.sem_alloc : memref<!tpu.dma_semaphore, #tpu.memory_space<semaphore_mem>>
        %dma_start3A_59 = arith.constant 9984 : i32
        %dma_start3A_60 = arith.constant 0 : i32
        %dma_start3A_61 = tpu.memref_slice %arg14[%dma_start3A_59, %dma_start3A_60] : memref<10000x64xf32, #tpu.memory_space<vmem_shared>> -> memref<16x64xf32, #tpu.memory_space<vmem_shared>>
        %dma_start3A_62 = arith.constant 9984 : i32
        %dma_start3A_63 = arith.constant 0 : i32
        %dma_start3A_64 = tpu.memref_slice %arg2[%dma_start3A_62, %dma_start3A_63] : memref<10000x64xf32, #tpu.memory_space<hbm>> -> memref<16x64xf32, #tpu.memory_space<hbm>>
        tpu.enqueue_dma source(%dma_start3A_64 : memref<16x64xf32, #tpu.memory_space<hbm>>) target(%dma_start3A_61 : memref<16x64xf32, #tpu.memory_space<vmem_shared>>) target_semaphore(%run_scoped3A_58 : memref<!tpu.dma_semaphore, #tpu.memory_space<semaphore_mem>>)
        %dma_wait3A_65 = arith.constant 9984 : i32
        %dma_wait3A_66 = arith.constant 0 : i32
        %dma_wait3A_67 = tpu.memref_slice %arg14[%dma_wait3A_65, %dma_wait3A_66] : memref<10000x64xf32, #tpu.memory_space<vmem_shared>> -> memref<16x64xf32, #tpu.memory_space<vmem_shared>>
        %dma_wait3A_68 = arith.constant 9984 : i32
        %dma_wait3A_69 = arith.constant 0 : i32
        %dma_wait3A_70 = tpu.memref_slice %arg2[%dma_wait3A_68, %dma_wait3A_69] : memref<10000x64xf32, #tpu.memory_space<hbm>> -> memref<16x64xf32, #tpu.memory_space<hbm>>
        tpu.wait_dma2 semaphore(%run_scoped3A_58 : memref<!tpu.dma_semaphore, #tpu.memory_space<semaphore_mem>>) src(%dma_wait3A_70 : memref<16x64xf32, #tpu.memory_space<hbm>>) dst(%dma_wait3A_67 : memref<16x64xf32, #tpu.memory_space<vmem_shared>>)
        tpu.yield
      }) : () -> ()
    } else {
    }
    %dma_wait3A = arith.constant 0 : i32
    %dma_wait3A_23 = arith.constant 0 : i32
    %dma_wait3A_24 = tpu.memref_slice %arg3[%add3A, %dma_wait3A, %dma_wait3A_23] : memref<32x125x80xi32, #tpu.memory_space<hbm>> -> memref<1x125x80xi32, #tpu.memory_space<hbm>>
    %dma_wait3A_25 = tpu.memref_squeeze %dma_wait3A_24 : memref<1x125x80xi32, #tpu.memory_space<hbm>> -> memref<125x80xi32, #tpu.memory_space<hbm>>
    %dma_wait3A_26 = arith.constant 0 : i32
    %dma_wait3A_27 = arith.constant 0 : i32
    %dma_wait3A_28 = tpu.memref_slice %arg3[%add3A, %dma_wait3A_26, %dma_wait3A_27] : memref<32x125x80xi32, #tpu.memory_space<hbm>> -> memref<1x125x80xi32, #tpu.memory_space<hbm>>
    %dma_wait3A_29 = tpu.memref_squeeze %dma_wait3A_28 : memref<1x125x80xi32, #tpu.memory_space<hbm>> -> memref<125x80xi32, #tpu.memory_space<hbm>>
    tpu.wait_dma2 semaphore(%arg12 : memref<!tpu.dma_semaphore, #tpu.memory_space<semaphore_mem>>) src(%dma_wait3A_29 : memref<125x80xi32, #tpu.memory_space<hbm>>) dst(%arg7 : memref<125x80xi32, #tpu.memory_space<vmem>>)
    %dma_wait3A_30 = arith.constant 0 : i32
    %dma_wait3A_31 = arith.constant 0 : i32
    %dma_wait3A_32 = tpu.memref_slice %arg4[%add3A, %dma_wait3A_30, %dma_wait3A_31] : memref<32x125x80xi32, #tpu.memory_space<hbm>> -> memref<1x125x80xi32, #tpu.memory_space<hbm>>
    %dma_wait3A_33 = tpu.memref_squeeze %dma_wait3A_32 : memref<1x125x80xi32, #tpu.memory_space<hbm>> -> memref<125x80xi32, #tpu.memory_space<hbm>>
    %dma_wait3A_34 = arith.constant 0 : i32
    %dma_wait3A_35 = arith.constant 0 : i32
    %dma_wait3A_36 = tpu.memref_slice %arg4[%add3A, %dma_wait3A_34, %dma_wait3A_35] : memref<32x125x80xi32, #tpu.memory_space<hbm>> -> memref<1x125x80xi32, #tpu.memory_space<hbm>>
    %dma_wait3A_37 = tpu.memref_squeeze %dma_wait3A_36 : memref<1x125x80xi32, #tpu.memory_space<hbm>> -> memref<125x80xi32, #tpu.memory_space<hbm>>
    tpu.wait_dma2 semaphore(%arg13 : memref<!tpu.dma_semaphore, #tpu.memory_space<semaphore_mem>>) src(%dma_wait3A_37 : memref<125x80xi32, #tpu.memory_space<hbm>>) dst(%arg8 : memref<125x80xi32, #tpu.memory_space<vmem>>)
    %barrier3A = arith.constant 0 : index
    tpu.barrier barrier_id(%barrier3A)
    %dma_start3A_38 = arith.constant 0 : i32
    %dma_start3A_39 = arith.constant 0 : i32
    %dma_start3A_40 = tpu.memref_slice %arg7[%dma_start3A_38, %dma_start3A_39] : memref<125x80xi32, #tpu.memory_space<vmem>> -> memref<1x80xi32, #tpu.memory_space<vmem>>
    %dma_start3A_41 = tpu.memref_squeeze %dma_start3A_40 : memref<1x80xi32, #tpu.memory_space<vmem>> -> memref<80xi32, #tpu.memory_space<vmem>>
    %dma_start3A_42 = arith.constant 0 : i32
    %dma_start3A_43 = arith.constant 0 : i32
    %dma_start3A_44 = tpu.memref_slice %arg14[%dma_start3A_42, %dma_start3A_43] : memref<10000x64xf32, #tpu.memory_space<vmem_shared>> -> memref<10000x64xf32, #tpu.memory_space<vmem_shared>>
    tpu.enqueue_indirect_dma source(%dma_start3A_44 : memref<10000x64xf32, #tpu.memory_space<vmem_shared>>) target(%arg9 : memref<80x64xf32, #tpu.memory_space<vmem>>) offsets(%dma_start3A_41 : memref<80xi32, #tpu.memory_space<vmem>>) semaphore(%arg12 : memref<!tpu.dma_semaphore, #tpu.memory_space<semaphore_mem>>)
    %scan3A = arith.constant 0 : i32
    %scan3A_45 = arith.constant 0 : i32
    %scan3A_46 = arith.constant 62 : i32
    %scan3A_47 = arith.addi %scan3A_45, %scan3A_46 : i32
    %scan3A_48 = arith.constant 1 : i32
    scf.for %scan3A_58 = %scan3A_45 to %scan3A_47 step %scan3A_48  : i32 {
      %mul3A_59 = arith.constant 2 : i32
      %mul3A_60 = arith.muli %mul3A_59, %scan3A_58 : i32
      %add3A_61 = arith.constant 1 : i32
      %add3A_62 = arith.addi %mul3A_60, %add3A_61 : i32
      %dma_start3A_63 = arith.constant 0 : i32
      %dma_start3A_64 = tpu.memref_slice %arg7[%add3A_62, %dma_start3A_63] : memref<125x80xi32, #tpu.memory_space<vmem>> -> memref<1x80xi32, #tpu.memory_space<vmem>>
      %dma_start3A_65 = tpu.memref_squeeze %dma_start3A_64 : memref<1x80xi32, #tpu.memory_space<vmem>> -> memref<80xi32, #tpu.memory_space<vmem>>
      %dma_start3A_66 = arith.constant 0 : i32
      %dma_start3A_67 = arith.constant 0 : i32
      %dma_start3A_68 = tpu.memref_slice %arg14[%dma_start3A_66, %dma_start3A_67] : memref<10000x64xf32, #tpu.memory_space<vmem_shared>> -> memref<10000x64xf32, #tpu.memory_space<vmem_shared>>
      tpu.enqueue_indirect_dma source(%dma_start3A_68 : memref<10000x64xf32, #tpu.memory_space<vmem_shared>>) target(%arg10 : memref<80x64xf32, #tpu.memory_space<vmem>>) offsets(%dma_start3A_65 : memref<80xi32, #tpu.memory_space<vmem>>) semaphore(%arg13 : memref<!tpu.dma_semaphore, #tpu.memory_space<semaphore_mem>>)
      %dma_wait3A_69 = arith.constant 0 : i32
      %dma_wait3A_70 = tpu.memref_slice %arg7[%mul3A_60, %dma_wait3A_69] : memref<125x80xi32, #tpu.memory_space<vmem>> -> memref<1x80xi32, #tpu.memory_space<vmem>>
      %dma_wait3A_71 = tpu.memref_squeeze %dma_wait3A_70 : memref<1x80xi32, #tpu.memory_space<vmem>> -> memref<80xi32, #tpu.memory_space<vmem>>
      %dma_wait3A_72 = arith.constant 0 : i32
      %dma_wait3A_73 = arith.constant 0 : i32
      %dma_wait3A_74 = tpu.memref_slice %arg14[%dma_wait3A_72, %dma_wait3A_73] : memref<10000x64xf32, #tpu.memory_space<vmem_shared>> -> memref<10000x64xf32, #tpu.memory_space<vmem_shared>>
      tpu.wait_indirect_dma semaphore(%arg12 : memref<!tpu.dma_semaphore, #tpu.memory_space<semaphore_mem>>) src(%dma_wait3A_74 : memref<10000x64xf32, #tpu.memory_space<vmem_shared>>) dst(%arg9 : memref<80x64xf32, #tpu.memory_space<vmem>>)
      "tpu.region"() ({
        %run_scoped3A_89 = tpu.sem_alloc : memref<!tpu.dma_semaphore, #tpu.memory_space<semaphore_mem>>
        %dma_start3A_90 = arith.constant 0 : i32
        %dma_start3A_91 = tpu.memref_slice %arg8[%mul3A_60, %dma_start3A_90] : memref<125x80xi32, #tpu.memory_space<vmem>> -> memref<1x80xi32, #tpu.memory_space<vmem>>
        %dma_start3A_92 = tpu.memref_squeeze %dma_start3A_91 : memref<1x80xi32, #tpu.memory_space<vmem>> -> memref<80xi32, #tpu.memory_space<vmem>>
        %dma_start3A_93 = arith.constant 0 : i32
        %dma_start3A_94 = arith.constant 0 : i32
        %dma_start3A_95 = tpu.memref_slice %arg11[%dma_start3A_93, %dma_start3A_94] : memref<10240x64xf32, #tpu.memory_space<vmem_shared>> -> memref<10240x64xf32, #tpu.memory_space<vmem_shared>>
        tpu.enqueue_indirect_dma source(%arg9 : memref<80x64xf32, #tpu.memory_space<vmem>>) target(%dma_start3A_95 : memref<10240x64xf32, #tpu.memory_space<vmem_shared>>) offsets(%dma_start3A_92 : memref<80xi32, #tpu.memory_space<vmem>>) semaphore(%run_scoped3A_89 : memref<!tpu.dma_semaphore, #tpu.memory_space<semaphore_mem>>) {add = true}
        %dma_wait3A_96 = arith.constant 0 : i32
        %dma_wait3A_97 = tpu.memref_slice %arg8[%mul3A_60, %dma_wait3A_96] : memref<125x80xi32, #tpu.memory_space<vmem>> -> memref<1x80xi32, #tpu.memory_space<vmem>>
        %dma_wait3A_98 = tpu.memref_squeeze %dma_wait3A_97 : memref<1x80xi32, #tpu.memory_space<vmem>> -> memref<80xi32, #tpu.memory_space<vmem>>
        %dma_wait3A_99 = arith.constant 0 : i32
        %dma_wait3A_100 = arith.constant 0 : i32
        %dma_wait3A_101 = tpu.memref_slice %arg11[%dma_wait3A_99, %dma_wait3A_100] : memref<10240x64xf32, #tpu.memory_space<vmem_shared>> -> memref<10240x64xf32, #tpu.memory_space<vmem_shared>>
        tpu.wait_indirect_dma semaphore(%run_scoped3A_89 : memref<!tpu.dma_semaphore, #tpu.memory_space<semaphore_mem>>) src(%arg9 : memref<80x64xf32, #tpu.memory_space<vmem>>) dst(%dma_wait3A_101 : memref<10240x64xf32, #tpu.memory_space<vmem_shared>>)
        tpu.yield
      }) : () -> ()
      %add3A_75 = arith.constant 2 : i32
      %add3A_76 = arith.addi %mul3A_60, %add3A_75 : i32
      %dma_start3A_77 = arith.constant 0 : i32
      %dma_start3A_78 = tpu.memref_slice %arg7[%add3A_76, %dma_start3A_77] : memref<125x80xi32, #tpu.memory_space<vmem>> -> memref<1x80xi32, #tpu.memory_space<vmem>>
      %dma_start3A_79 = tpu.memref_squeeze %dma_start3A_78 : memref<1x80xi32, #tpu.memory_space<vmem>> -> memref<80xi32, #tpu.memory_space<vmem>>
      %dma_start3A_80 = arith.constant 0 : i32
      %dma_start3A_81 = arith.constant 0 : i32
      %dma_start3A_82 = tpu.memref_slice %arg14[%dma_start3A_80, %dma_start3A_81] : memref<10000x64xf32, #tpu.memory_space<vmem_shared>> -> memref<10000x64xf32, #tpu.memory_space<vmem_shared>>
      tpu.enqueue_indirect_dma source(%dma_start3A_82 : memref<10000x64xf32, #tpu.memory_space<vmem_shared>>) target(%arg9 : memref<80x64xf32, #tpu.memory_space<vmem>>) offsets(%dma_start3A_79 : memref<80xi32, #tpu.memory_space<vmem>>) semaphore(%arg12 : memref<!tpu.dma_semaphore, #tpu.memory_space<semaphore_mem>>)
      %dma_wait3A_83 = arith.constant 0 : i32
      %dma_wait3A_84 = tpu.memref_slice %arg7[%add3A_62, %dma_wait3A_83] : memref<125x80xi32, #tpu.memory_space<vmem>> -> memref<1x80xi32, #tpu.memory_space<vmem>>
      %dma_wait3A_85 = tpu.memref_squeeze %dma_wait3A_84 : memref<1x80xi32, #tpu.memory_space<vmem>> -> memref<80xi32, #tpu.memory_space<vmem>>
      %dma_wait3A_86 = arith.constant 0 : i32
      %dma_wait3A_87 = arith.constant 0 : i32
      %dma_wait3A_88 = tpu.memref_slice %arg14[%dma_wait3A_86, %dma_wait3A_87] : memref<10000x64xf32, #tpu.memory_space<vmem_shared>> -> memref<10000x64xf32, #tpu.memory_space<vmem_shared>>
      tpu.wait_indirect_dma semaphore(%arg13 : memref<!tpu.dma_semaphore, #tpu.memory_space<semaphore_mem>>) src(%dma_wait3A_88 : memref<10000x64xf32, #tpu.memory_space<vmem_shared>>) dst(%arg10 : memref<80x64xf32, #tpu.memory_space<vmem>>)
      "tpu.region"() ({
        %run_scoped3A_89 = tpu.sem_alloc : memref<!tpu.dma_semaphore, #tpu.memory_space<semaphore_mem>>
        %dma_start3A_90 = arith.constant 0 : i32
        %dma_start3A_91 = tpu.memref_slice %arg8[%add3A_62, %dma_start3A_90] : memref<125x80xi32, #tpu.memory_space<vmem>> -> memref<1x80xi32, #tpu.memory_space<vmem>>
        %dma_start3A_92 = tpu.memref_squeeze %dma_start3A_91 : memref<1x80xi32, #tpu.memory_space<vmem>> -> memref<80xi32, #tpu.memory_space<vmem>>
        %dma_start3A_93 = arith.constant 0 : i32
        %dma_start3A_94 = arith.constant 0 : i32
        %dma_start3A_95 = tpu.memref_slice %arg11[%dma_start3A_93, %dma_start3A_94] : memref<10240x64xf32, #tpu.memory_space<vmem_shared>> -> memref<10240x64xf32, #tpu.memory_space<vmem_shared>>
        tpu.enqueue_indirect_dma source(%arg10 : memref<80x64xf32, #tpu.memory_space<vmem>>) target(%dma_start3A_95 : memref<10240x64xf32, #tpu.memory_space<vmem_shared>>) offsets(%dma_start3A_92 : memref<80xi32, #tpu.memory_space<vmem>>) semaphore(%run_scoped3A_89 : memref<!tpu.dma_semaphore, #tpu.memory_space<semaphore_mem>>) {add = true}
        %dma_wait3A_96 = arith.constant 0 : i32
        %dma_wait3A_97 = tpu.memref_slice %arg8[%add3A_62, %dma_wait3A_96] : memref<125x80xi32, #tpu.memory_space<vmem>> -> memref<1x80xi32, #tpu.memory_space<vmem>>
        %dma_wait3A_98 = tpu.memref_squeeze %dma_wait3A_97 : memref<1x80xi32, #tpu.memory_space<vmem>> -> memref<80xi32, #tpu.memory_space<vmem>>
        %dma_wait3A_99 = arith.constant 0 : i32
        %dma_wait3A_100 = arith.constant 0 : i32
        %dma_wait3A_101 = tpu.memref_slice %arg11[%dma_wait3A_99, %dma_wait3A_100] : memref<10240x64xf32, #tpu.memory_space<vmem_shared>> -> memref<10240x64xf32, #tpu.memory_space<vmem_shared>>
        tpu.wait_indirect_dma semaphore(%run_scoped3A_89 : memref<!tpu.dma_semaphore, #tpu.memory_space<semaphore_mem>>) src(%arg10 : memref<80x64xf32, #tpu.memory_space<vmem>>) dst(%dma_wait3A_101 : memref<10240x64xf32, #tpu.memory_space<vmem_shared>>)
        tpu.yield
      }) : () -> ()
    }
    %scan3A_49 = arith.constant 62 : i32
    %dma_wait3A_50 = arith.constant 124 : i32
    %dma_wait3A_51 = arith.constant 0 : i32
    %dma_wait3A_52 = tpu.memref_slice %arg7[%dma_wait3A_50, %dma_wait3A_51] : memref<125x80xi32, #tpu.memory_space<vmem>> -> memref<1x80xi32, #tpu.memory_space<vmem>>
    %dma_wait3A_53 = tpu.memref_squeeze %dma_wait3A_52 : memref<1x80xi32, #tpu.memory_space<vmem>> -> memref<80xi32, #tpu.memory_space<vmem>>
    %dma_wait3A_54 = arith.constant 0 : i32
    %dma_wait3A_55 = arith.constant 0 : i32
    %dma_wait3A_56 = tpu.memref_slice %arg14[%dma_wait3A_54, %dma_wait3A_55] : memref<10000x64xf32, #tpu.memory_space<vmem_shared>> -> memref<10000x64xf32, #tpu.memory_space<vmem_shared>>
    tpu.wait_indirect_dma semaphore(%arg12 : memref<!tpu.dma_semaphore, #tpu.memory_space<semaphore_mem>>) src(%dma_wait3A_56 : memref<10000x64xf32, #tpu.memory_space<vmem_shared>>) dst(%arg9 : memref<80x64xf32, #tpu.memory_space<vmem>>)
    %run_scoped3A = arith.constant 124 : i32
    "tpu.region"() ({
      %run_scoped3A_58 = tpu.sem_alloc : memref<!tpu.dma_semaphore, #tpu.memory_space<semaphore_mem>>
      %dma_start3A_59 = arith.constant 0 : i32
      %dma_start3A_60 = tpu.memref_slice %arg8[%run_scoped3A, %dma_start3A_59] : memref<125x80xi32, #tpu.memory_space<vmem>> -> memref<1x80xi32, #tpu.memory_space<vmem>>
      %dma_start3A_61 = tpu.memref_squeeze %dma_start3A_60 : memref<1x80xi32, #tpu.memory_space<vmem>> -> memref<80xi32, #tpu.memory_space<vmem>>
      %dma_start3A_62 = arith.constant 0 : i32
      %dma_start3A_63 = arith.constant 0 : i32
      %dma_start3A_64 = tpu.memref_slice %arg11[%dma_start3A_62, %dma_start3A_63] : memref<10240x64xf32, #tpu.memory_space<vmem_shared>> -> memref<10240x64xf32, #tpu.memory_space<vmem_shared>>
      tpu.enqueue_indirect_dma source(%arg9 : memref<80x64xf32, #tpu.memory_space<vmem>>) target(%dma_start3A_64 : memref<10240x64xf32, #tpu.memory_space<vmem_shared>>) offsets(%dma_start3A_61 : memref<80xi32, #tpu.memory_space<vmem>>) semaphore(%run_scoped3A_58 : memref<!tpu.dma_semaphore, #tpu.memory_space<semaphore_mem>>) {add = true}
      %dma_wait3A_65 = arith.constant 0 : i32
      %dma_wait3A_66 = tpu.memref_slice %arg8[%run_scoped3A, %dma_wait3A_65] : memref<125x80xi32, #tpu.memory_space<vmem>> -> memref<1x80xi32, #tpu.memory_space<vmem>>
      %dma_wait3A_67 = tpu.memref_squeeze %dma_wait3A_66 : memref<1x80xi32, #tpu.memory_space<vmem>> -> memref<80xi32, #tpu.memory_space<vmem>>
      %dma_wait3A_68 = arith.constant 0 : i32
      %dma_wait3A_69 = arith.constant 0 : i32
      %dma_wait3A_70 = tpu.memref_slice %arg11[%dma_wait3A_68, %dma_wait3A_69] : memref<10240x64xf32, #tpu.memory_space<vmem_shared>> -> memref<10240x64xf32, #tpu.memory_space<vmem_shared>>
      tpu.wait_indirect_dma semaphore(%run_scoped3A_58 : memref<!tpu.dma_semaphore, #tpu.memory_space<semaphore_mem>>) src(%arg9 : memref<80x64xf32, #tpu.memory_space<vmem>>) dst(%dma_wait3A_70 : memref<10240x64xf32, #tpu.memory_space<vmem_shared>>)
      tpu.yield
    }) : () -> ()
    %barrier3A_57 = arith.constant 0 : index
    tpu.barrier barrier_id(%barrier3A_57)
    "tpu.region"() ({
      %run_scoped3A_58 = tpu.sem_alloc : memref<!tpu.dma_semaphore, #tpu.memory_space<semaphore_mem>>
      %dma_start3A_59 = arith.constant 0 : i32
      %dma_start3A_60 = tpu.memref_slice %arg6[%arg0, %multiple_of3A, %dma_start3A_59] : memref<2x10240x64xf32, #tpu.memory_space<hbm>> -> memref<1x640x64xf32, #tpu.memory_space<hbm>>
      %dma_start3A_61 = tpu.memref_squeeze %dma_start3A_60 : memref<1x640x64xf32, #tpu.memory_space<hbm>> -> memref<640x64xf32, #tpu.memory_space<hbm>>
      %dma_start3A_62 = arith.constant 0 : i32
      %dma_start3A_63 = tpu.memref_slice %arg11[%multiple_of3A, %dma_start3A_62] : memref<10240x64xf32, #tpu.memory_space<vmem_shared>> -> memref<640x64xf32, #tpu.memory_space<vmem_shared>>
      tpu.enqueue_dma source(%dma_start3A_63 : memref<640x64xf32, #tpu.memory_space<vmem_shared>>) target(%dma_start3A_61 : memref<640x64xf32, #tpu.memory_space<hbm>>) target_semaphore(%run_scoped3A_58 : memref<!tpu.dma_semaphore, #tpu.memory_space<semaphore_mem>>)
      %dma_wait3A_64 = arith.constant 0 : i32
      %dma_wait3A_65 = tpu.memref_slice %arg6[%arg0, %multiple_of3A, %dma_wait3A_64] : memref<2x10240x64xf32, #tpu.memory_space<hbm>> -> memref<1x640x64xf32, #tpu.memory_space<hbm>>
      %dma_wait3A_66 = tpu.memref_squeeze %dma_wait3A_65 : memref<1x640x64xf32, #tpu.memory_space<hbm>> -> memref<640x64xf32, #tpu.memory_space<hbm>>
      %dma_wait3A_67 = arith.constant 0 : i32
      %dma_wait3A_68 = tpu.memref_slice %arg11[%multiple_of3A, %dma_wait3A_67] : memref<10240x64xf32, #tpu.memory_space<vmem_shared>> -> memref<640x64xf32, #tpu.memory_space<vmem_shared>>
      tpu.wait_dma2 semaphore(%run_scoped3A_58 : memref<!tpu.dma_semaphore, #tpu.memory_space<semaphore_mem>>) src(%dma_wait3A_68 : memref<640x64xf32, #tpu.memory_space<vmem_shared>>) dst(%dma_wait3A_66 : memref<640x64xf32, #tpu.memory_space<hbm>>)
      tpu.yield
    }) : () -> ()
    return
  }
}

#map = affine_map<(d0, d1) -> (0, 0, 0)>
#map1 = affine_map<(d0, d1) -> (0, 0)>
module attributes {stable_mosaic.version = 14 : i64} {
  func.func @body(%arg0: i32, %arg1: i32, %arg2: memref<32x125x80xi32, #tpu.memory_space<hbm>>, %arg3: memref<10240x8xf32, #tpu.memory_space<hbm>>, %arg4: memref<80x8xf32, #tpu.memory_space<hbm>>, %arg5: memref<2x10240x8xf32, #tpu.memory_space<hbm>>, %arg6: memref<125x80xi32, #tpu.memory_space<vmem>>, %arg7: memref<80x8xf32, #tpu.memory_space<vmem>>, %arg8: memref<10240x8xf32, #tpu.memory_space<vmem_shared>>, %arg9: memref<!tpu.dma_semaphore, #tpu.memory_space<semaphore_mem>>) attributes {dimension_semantics = [#tpu.dimension_semantics<core_parallel>, #tpu.dimension_semantics<subcore_parallel>], iteration_bounds = array<i64: 2, 16>, scalar_prefetch = 0 : i64, scratch_operands = 4 : i64, tpu.core_type = #tpu.core_type<sc_vector_subcore>, window_params = [{transform_indices = #map}, {transform_indices = #map1}, {transform_indices = #map1}, {transform_indices = #map}]} {
    %mul3A = arith.constant 16 : i32
    %mul3A_0 = arith.muli %arg0, %mul3A : i32
    %add3A = arith.addi %mul3A_0, %arg1 : i32
    %mul3A_1 = arith.constant 640 : i32
    %mul3A_2 = arith.muli %arg1, %mul3A_1 : i32
    %multiple_of3A = tpu.assume_multiple %mul3A_2, 8 : i32
    %dma_start3A = arith.constant 0 : i32
    %dma_start3A_3 = arith.constant 0 : i32
    %dma_start3A_4 = tpu.memref_slice %arg2[%add3A, %dma_start3A, %dma_start3A_3] : memref<32x125x80xi32, #tpu.memory_space<hbm>> -> memref<1x125x80xi32, #tpu.memory_space<hbm>>
    %dma_start3A_5 = tpu.memref_squeeze %dma_start3A_4 : memref<1x125x80xi32, #tpu.memory_space<hbm>> -> memref<125x80xi32, #tpu.memory_space<hbm>>
    %dma_start3A_6 = arith.constant 0 : i32
    %dma_start3A_7 = arith.constant 0 : i32
    %dma_start3A_8 = tpu.memref_slice %arg2[%add3A, %dma_start3A_6, %dma_start3A_7] : memref<32x125x80xi32, #tpu.memory_space<hbm>> -> memref<1x125x80xi32, #tpu.memory_space<hbm>>
    %dma_start3A_9 = tpu.memref_squeeze %dma_start3A_8 : memref<1x125x80xi32, #tpu.memory_space<hbm>> -> memref<125x80xi32, #tpu.memory_space<hbm>>
    tpu.enqueue_dma source(%dma_start3A_9 : memref<125x80xi32, #tpu.memory_space<hbm>>) target(%arg6 : memref<125x80xi32, #tpu.memory_space<vmem>>) target_semaphore(%arg9 : memref<!tpu.dma_semaphore, #tpu.memory_space<semaphore_mem>>)
    "tpu.region"() ({
      %run_scoped3A = tpu.sem_alloc : memref<!tpu.dma_semaphore, #tpu.memory_space<semaphore_mem>>
      %dma_start3A_23 = arith.constant 0 : i32
      %dma_start3A_24 = tpu.memref_slice %arg8[%multiple_of3A, %dma_start3A_23] : memref<10240x8xf32, #tpu.memory_space<vmem_shared>> -> memref<640x8xf32, #tpu.memory_space<vmem_shared>>
      %dma_start3A_25 = arith.constant 0 : i32
      %dma_start3A_26 = tpu.memref_slice %arg3[%multiple_of3A, %dma_start3A_25] : memref<10240x8xf32, #tpu.memory_space<hbm>> -> memref<640x8xf32, #tpu.memory_space<hbm>>
      tpu.enqueue_dma source(%dma_start3A_26 : memref<640x8xf32, #tpu.memory_space<hbm>>) target(%dma_start3A_24 : memref<640x8xf32, #tpu.memory_space<vmem_shared>>) target_semaphore(%run_scoped3A : memref<!tpu.dma_semaphore, #tpu.memory_space<semaphore_mem>>)
      %dma_wait3A_27 = arith.constant 0 : i32
      %dma_wait3A_28 = tpu.memref_slice %arg8[%multiple_of3A, %dma_wait3A_27] : memref<10240x8xf32, #tpu.memory_space<vmem_shared>> -> memref<640x8xf32, #tpu.memory_space<vmem_shared>>
      %dma_wait3A_29 = arith.constant 0 : i32
      %dma_wait3A_30 = tpu.memref_slice %arg3[%multiple_of3A, %dma_wait3A_29] : memref<10240x8xf32, #tpu.memory_space<hbm>> -> memref<640x8xf32, #tpu.memory_space<hbm>>
      tpu.wait_dma2 semaphore(%run_scoped3A : memref<!tpu.dma_semaphore, #tpu.memory_space<semaphore_mem>>) src(%dma_wait3A_30 : memref<640x8xf32, #tpu.memory_space<hbm>>) dst(%dma_wait3A_28 : memref<640x8xf32, #tpu.memory_space<vmem_shared>>)
      tpu.yield
    }) : () -> ()
    "tpu.region"() ({
      %run_scoped3A = tpu.sem_alloc : memref<!tpu.dma_semaphore, #tpu.memory_space<semaphore_mem>>
      tpu.enqueue_dma source(%arg4 : memref<80x8xf32, #tpu.memory_space<hbm>>) target(%arg7 : memref<80x8xf32, #tpu.memory_space<vmem>>) target_semaphore(%run_scoped3A : memref<!tpu.dma_semaphore, #tpu.memory_space<semaphore_mem>>)
      tpu.wait_dma2 semaphore(%run_scoped3A : memref<!tpu.dma_semaphore, #tpu.memory_space<semaphore_mem>>) src(%arg4 : memref<80x8xf32, #tpu.memory_space<hbm>>) dst(%arg7 : memref<80x8xf32, #tpu.memory_space<vmem>>)
      tpu.yield
    }) : () -> ()
    %dma_wait3A = arith.constant 0 : i32
    %dma_wait3A_10 = arith.constant 0 : i32
    %dma_wait3A_11 = tpu.memref_slice %arg2[%add3A, %dma_wait3A, %dma_wait3A_10] : memref<32x125x80xi32, #tpu.memory_space<hbm>> -> memref<1x125x80xi32, #tpu.memory_space<hbm>>
    %dma_wait3A_12 = tpu.memref_squeeze %dma_wait3A_11 : memref<1x125x80xi32, #tpu.memory_space<hbm>> -> memref<125x80xi32, #tpu.memory_space<hbm>>
    %dma_wait3A_13 = arith.constant 0 : i32
    %dma_wait3A_14 = arith.constant 0 : i32
    %dma_wait3A_15 = tpu.memref_slice %arg2[%add3A, %dma_wait3A_13, %dma_wait3A_14] : memref<32x125x80xi32, #tpu.memory_space<hbm>> -> memref<1x125x80xi32, #tpu.memory_space<hbm>>
    %dma_wait3A_16 = tpu.memref_squeeze %dma_wait3A_15 : memref<1x125x80xi32, #tpu.memory_space<hbm>> -> memref<125x80xi32, #tpu.memory_space<hbm>>
    tpu.wait_dma2 semaphore(%arg9 : memref<!tpu.dma_semaphore, #tpu.memory_space<semaphore_mem>>) src(%dma_wait3A_16 : memref<125x80xi32, #tpu.memory_space<hbm>>) dst(%arg6 : memref<125x80xi32, #tpu.memory_space<vmem>>)
    %barrier3A = arith.constant 0 : index
    tpu.barrier barrier_id(%barrier3A)
    %scan3A = arith.constant 0 : i32
    %scan3A_17 = arith.constant 0 : i32
    %scan3A_18 = arith.constant 125 : i32
    %scan3A_19 = arith.addi %scan3A_17, %scan3A_18 : i32
    %scan3A_20 = arith.constant 1 : i32
    scf.for %scan3A_23 = %scan3A_17 to %scan3A_19 step %scan3A_20  : i32 {
      "tpu.region"() ({
        %run_scoped3A = tpu.sem_alloc : memref<!tpu.dma_semaphore, #tpu.memory_space<semaphore_mem>>
        %dma_start3A_24 = arith.constant 0 : i32
        %dma_start3A_25 = tpu.memref_slice %arg6[%scan3A_23, %dma_start3A_24] : memref<125x80xi32, #tpu.memory_space<vmem>> -> memref<1x80xi32, #tpu.memory_space<vmem>>
        %dma_start3A_26 = tpu.memref_squeeze %dma_start3A_25 : memref<1x80xi32, #tpu.memory_space<vmem>> -> memref<80xi32, #tpu.memory_space<vmem>>
        %dma_start3A_27 = arith.constant 0 : i32
        %dma_start3A_28 = arith.constant 0 : i32
        %dma_start3A_29 = tpu.memref_slice %arg8[%dma_start3A_27, %dma_start3A_28] : memref<10240x8xf32, #tpu.memory_space<vmem_shared>> -> memref<10240x8xf32, #tpu.memory_space<vmem_shared>>
        tpu.enqueue_indirect_dma source(%arg7 : memref<80x8xf32, #tpu.memory_space<vmem>>) target(%dma_start3A_29 : memref<10240x8xf32, #tpu.memory_space<vmem_shared>>) offsets(%dma_start3A_26 : memref<80xi32, #tpu.memory_space<vmem>>) semaphore(%run_scoped3A : memref<!tpu.dma_semaphore, #tpu.memory_space<semaphore_mem>>) {add = true}
        %dma_wait3A_30 = arith.constant 0 : i32
        %dma_wait3A_31 = tpu.memref_slice %arg6[%scan3A_23, %dma_wait3A_30] : memref<125x80xi32, #tpu.memory_space<vmem>> -> memref<1x80xi32, #tpu.memory_space<vmem>>
        %dma_wait3A_32 = tpu.memref_squeeze %dma_wait3A_31 : memref<1x80xi32, #tpu.memory_space<vmem>> -> memref<80xi32, #tpu.memory_space<vmem>>
        %dma_wait3A_33 = arith.constant 0 : i32
        %dma_wait3A_34 = arith.constant 0 : i32
        %dma_wait3A_35 = tpu.memref_slice %arg8[%dma_wait3A_33, %dma_wait3A_34] : memref<10240x8xf32, #tpu.memory_space<vmem_shared>> -> memref<10240x8xf32, #tpu.memory_space<vmem_shared>>
        tpu.wait_indirect_dma semaphore(%run_scoped3A : memref<!tpu.dma_semaphore, #tpu.memory_space<semaphore_mem>>) src(%arg7 : memref<80x8xf32, #tpu.memory_space<vmem>>) dst(%dma_wait3A_35 : memref<10240x8xf32, #tpu.memory_space<vmem_shared>>)
        tpu.yield
      }) : () -> ()
    }
    %scan3A_21 = arith.constant 125 : i32
    %barrier3A_22 = arith.constant 0 : index
    tpu.barrier barrier_id(%barrier3A_22)
    "tpu.region"() ({
      %run_scoped3A = tpu.sem_alloc : memref<!tpu.dma_semaphore, #tpu.memory_space<semaphore_mem>>
      %dma_start3A_23 = arith.constant 0 : i32
      %dma_start3A_24 = tpu.memref_slice %arg5[%arg0, %multiple_of3A, %dma_start3A_23] : memref<2x10240x8xf32, #tpu.memory_space<hbm>> -> memref<1x640x8xf32, #tpu.memory_space<hbm>>
      %dma_start3A_25 = tpu.memref_squeeze %dma_start3A_24 : memref<1x640x8xf32, #tpu.memory_space<hbm>> -> memref<640x8xf32, #tpu.memory_space<hbm>>
      %dma_start3A_26 = arith.constant 0 : i32
      %dma_start3A_27 = tpu.memref_slice %arg8[%multiple_of3A, %dma_start3A_26] : memref<10240x8xf32, #tpu.memory_space<vmem_shared>> -> memref<640x8xf32, #tpu.memory_space<vmem_shared>>
      tpu.enqueue_dma source(%dma_start3A_27 : memref<640x8xf32, #tpu.memory_space<vmem_shared>>) target(%dma_start3A_25 : memref<640x8xf32, #tpu.memory_space<hbm>>) target_semaphore(%run_scoped3A : memref<!tpu.dma_semaphore, #tpu.memory_space<semaphore_mem>>)
      %dma_wait3A_28 = arith.constant 0 : i32
      %dma_wait3A_29 = tpu.memref_slice %arg5[%arg0, %multiple_of3A, %dma_wait3A_28] : memref<2x10240x8xf32, #tpu.memory_space<hbm>> -> memref<1x640x8xf32, #tpu.memory_space<hbm>>
      %dma_wait3A_30 = tpu.memref_squeeze %dma_wait3A_29 : memref<1x640x8xf32, #tpu.memory_space<hbm>> -> memref<640x8xf32, #tpu.memory_space<hbm>>
      %dma_wait3A_31 = arith.constant 0 : i32
      %dma_wait3A_32 = tpu.memref_slice %arg8[%multiple_of3A, %dma_wait3A_31] : memref<10240x8xf32, #tpu.memory_space<vmem_shared>> -> memref<640x8xf32, #tpu.memory_space<vmem_shared>>
      tpu.wait_dma2 semaphore(%run_scoped3A : memref<!tpu.dma_semaphore, #tpu.memory_space<semaphore_mem>>) src(%dma_wait3A_32 : memref<640x8xf32, #tpu.memory_space<vmem_shared>>) dst(%dma_wait3A_30 : memref<640x8xf32, #tpu.memory_space<hbm>>)
      tpu.yield
    }) : () -> ()
    return
  }
}

module attributes {stable_mosaic.version = 14 : i64} {
  func.func @body(%arg0: i32, %arg1: memref<1000x128xf32, #tpu.memory_space<vmem>>, %arg2: memref<128x128xf32, #tpu.memory_space<vmem>>, %arg3: memref<1000x128xf32, #tpu.memory_space<vmem>>) attributes {dimension_semantics = [#tpu.dimension_semantics<arbitrary>], iteration_bounds = array<i64: 10>, scalar_prefetch = 0 : i64, scratch_operands = 0 : i64, tpu.core_type = #tpu.core_type<tc>, window_params = [{transform_indices = @transform_0, window_bounds = array<i64: 1000, 128>}, {pipeline_mode = #tpu.pipeline_mode<synchronous>, transform_indices = @transform_1, window_bounds = array<i64: 128, 128>}, {transform_indices = @transform_2, window_bounds = array<i64: 1000, 128>}]} {
    %get3A = arith.constant 0 : index
    %get3A_0 = arith.constant 0 : index
    %get3A_1 = vector.load %arg1[%get3A, %get3A_0] : memref<1000x128xf32, #tpu.memory_space<vmem>>, vector<1000x128xf32>
    %get3A_2 = arith.constant 0 : index
    %get3A_3 = arith.constant 0 : index
    %get3A_4 = vector.load %arg2[%get3A_2, %get3A_3] : memref<128x128xf32, #tpu.memory_space<vmem>>, vector<128x128xf32>
    %dot_general3A = arith.constant dense<0.000000e+00> : vector<1000x128xf32>
    %dot_general3A_5 = tpu.matmul %get3A_1, %get3A_4, %dot_general3A {dimension_numbers = #tpu.dot_dimension_numbers<[1], [0], [0], [1], [0, 0, 1, 1], [], []>, transpose_lhs_hint = false} : vector<1000x128xf32>, vector<128x128xf32>, vector<1000x128xf32> -> vector<1000x128xf32>
    %swap3A = arith.constant 0 : index
    %swap3A_6 = arith.constant 0 : index
    %swap3A_7 = vector.load %arg3[%swap3A, %swap3A_6] : memref<1000x128xf32, #tpu.memory_space<vmem>>, vector<1000x128xf32>
    tpu.vector_store %arg3[%swap3A, %swap3A_6], %dot_general3A_5 {strides = array<i32>} : memref<1000x128xf32, #tpu.memory_space<vmem>>, vector<1000x128xf32>,
    return
  }
  func.func @transform_0(%arg0: i32) -> (i32, i32) {
    %c0_i32 = arith.constant 0 : i32
    %c0_i32_0 = arith.constant 0 : i32
    return %arg0, %c0_i32 : i32, i32
  }
  func.func @transform_1(%arg0: i32) -> (i32, i32) {
    %c0_i32 = arith.constant 0 : i32
    %c0_i32_0 = arith.constant 0 : i32
    %c0_i32_1 = arith.constant 0 : i32
    return %c0_i32, %c0_i32_0 : i32, i32
  }
  func.func @transform_2(%arg0: i32) -> (i32, i32) {
    %c0_i32 = arith.constant 0 : i32
    %c0_i32_0 = arith.constant 0 : i32
    return %arg0, %c0_i32 : i32, i32
  }
}

module attributes {stable_mosaic.version = 14 : i64} {
  func.func @body(%arg0: i32, %arg1: memref<2x1000x128xf32, #tpu.memory_space<vmem>>, %arg2: memref<2x1000x8xf32, #tpu.memory_space<vmem>>, %arg3: memref<1000x128xf32, #tpu.memory_space<vmem>>, %arg4: memref<1x128xf32, #tpu.memory_space<vmem>>, %arg5: memref<128x64xf32, #tpu.memory_space<vmem>>, %arg6: memref<128x64xf32, #tpu.memory_space<vmem>>, %arg7: memref<1000x64xf32, #tpu.memory_space<vmem>>, %arg8: memref<1000x64xf32, #tpu.memory_space<vmem>>) attributes {dimension_semantics = [#tpu.dimension_semantics<arbitrary>], iteration_bounds = array<i64: 10>, scalar_prefetch = 0 : i64, scratch_operands = 0 : i64, tpu.core_type = #tpu.core_type<tc>, window_params = [{transform_indices = @transform_0, window_bounds = array<i64: 2, 1000, 128>}, {transform_indices = @transform_1, window_bounds = array<i64: 2, 1000, 8>}, {transform_indices = @transform_2, window_bounds = array<i64: 1000, 128>}, {pipeline_mode = #tpu.pipeline_mode<synchronous>, transform_indices = @transform_3, window_bounds = array<i64: 1, 128>}, {pipeline_mode = #tpu.pipeline_mode<synchronous>, transform_indices = @transform_4, window_bounds = array<i64: 128, 64>}, {pipeline_mode = #tpu.pipeline_mode<synchronous>, transform_indices = @transform_5, window_bounds = array<i64: 128, 64>}, {transform_indices = @transform_6, window_bounds = array<i64: 1000, 64>}, {transform_indices = @transform_7, window_bounds = array<i64: 1000, 64>}]} {
    %get3A = arith.constant 0 : index
    %get3A_0 = arith.constant 0 : index
    %get3A_1 = arith.constant 0 : index
    %get3A_2 = vector.load %arg1[%get3A, %get3A_0, %get3A_1] : memref<2x1000x128xf32, #tpu.memory_space<vmem>>, vector<1x1000x128xf32>
    %get3A_3 = vector.shape_cast %get3A_2 : vector<1x1000x128xf32> to vector<1000x128xf32>
    %get3A_4 = arith.constant 1 : index
    %get3A_5 = arith.constant 0 : index
    %get3A_6 = arith.constant 0 : index
    %get3A_7 = vector.load %arg1[%get3A_4, %get3A_5, %get3A_6] : memref<2x1000x128xf32, #tpu.memory_space<vmem>>, vector<1x1000x128xf32>
    %get3A_8 = vector.shape_cast %get3A_7 : vector<1x1000x128xf32> to vector<1000x128xf32>
    %add3A = arith.addf %get3A_3, %get3A_8 : vector<1000x128xf32>
    %get3A_9 = arith.constant 0 : index
    %get3A_10 = arith.constant 0 : index
    %get3A_11 = arith.constant 0 : index
    %get3A_12 = vector.load %arg2[%get3A_9, %get3A_10, %get3A_11] : memref<2x1000x8xf32, #tpu.memory_space<vmem>>, vector<1x1000x8xf32>
    %get3A_13 = vector.shape_cast %get3A_12 : vector<1x1000x8xf32> to vector<1000x8xf32>
    %slice3A = vector.extract_strided_slice %get3A_13 {offsets = [0, 0], sizes = [1000, 1], strides = [1, 1]} : vector<1000x8xf32> to vector<1000x1xf32>
    %get3A_14 = arith.constant 1 : index
    %get3A_15 = arith.constant 0 : index
    %get3A_16 = arith.constant 0 : index
    %get3A_17 = vector.load %arg2[%get3A_14, %get3A_15, %get3A_16] : memref<2x1000x8xf32, #tpu.memory_space<vmem>>, vector<1x1000x8xf32>
    %get3A_18 = vector.shape_cast %get3A_17 : vector<1x1000x8xf32> to vector<1000x8xf32>
    %slice3A_19 = vector.extract_strided_slice %get3A_18 {offsets = [0, 0], sizes = [1000, 1], strides = [1, 1]} : vector<1000x8xf32> to vector<1000x1xf32>
    %add3A_20 = arith.addf %slice3A, %slice3A_19 : vector<1000x1xf32>
    %max3A = arith.constant 1.000000e+00 : f32
    %max3A_21 = vector.broadcast %max3A : f32 to vector<1000x1xf32>
    %max3A_22 = arith.maximumf %add3A_20, %max3A_21 : vector<1000x1xf32>
    %div3A = arith.constant 1.000000e+00 : f32
    %div3A_23 = vector.broadcast %div3A : f32 to vector<1000x1xf32>
    %div3A_24 = arith.divf %div3A_23, %max3A_22 : vector<1000x1xf32>
    %mul3A = vector.broadcast %div3A_24 : vector<1000x1xf32> to vector<1000x128xf32>
    %mul3A_25 = arith.mulf %add3A, %mul3A : vector<1000x128xf32>
    %get3A_26 = arith.constant 0 : index
    %get3A_27 = arith.constant 0 : index
    %get3A_28 = vector.load %arg3[%get3A_26, %get3A_27] : memref<1000x128xf32, #tpu.memory_space<vmem>>, vector<1000x128xf32>
    %add3A_29 = arith.addf %mul3A_25, %get3A_28 : vector<1000x128xf32>
    %get3A_30 = arith.constant 0 : index
    %get3A_31 = arith.constant 0 : index
    %get3A_32 = vector.load %arg4[%get3A_30, %get3A_31] : memref<1x128xf32, #tpu.memory_space<vmem>>, vector<1x128xf32>
    %add3A_33 = vector.broadcast %get3A_32 : vector<1x128xf32> to vector<1000x128xf32>
    %add3A_34 = arith.addf %add3A_29, %add3A_33 : vector<1000x128xf32>
    %max3A_35 = arith.constant 0.000000e+00 : f32
    %max3A_36 = vector.broadcast %max3A_35 : f32 to vector<1000x128xf32>
    %max3A_37 = arith.maximumf %add3A_34, %max3A_36 : vector<1000x128xf32>
    %get3A_38 = arith.constant 0 : index
    %get3A_39 = arith.constant 0 : index
    %get3A_40 = vector.load %arg5[%get3A_38, %get3A_39] : memref<128x64xf32, #tpu.memory_space<vmem>>, vector<128x64xf32>
    %dot_general3A = arith.constant dense<0.000000e+00> : vector<1000x64xf32>
    %dot_general3A_41 = tpu.matmul %max3A_37, %get3A_40, %dot_general3A {dimension_numbers = #tpu.dot_dimension_numbers<[1], [0], [0], [1], [0, 0, 1, 1], [], []>, transpose_lhs_hint = false} : vector<1000x128xf32>, vector<128x64xf32>, vector<1000x64xf32> -> vector<1000x64xf32>
    %swap3A = arith.constant 0 : index
    %swap3A_42 = arith.constant 0 : index
    %swap3A_43 = vector.load %arg7[%swap3A, %swap3A_42] : memref<1000x64xf32, #tpu.memory_space<vmem>>, vector<1000x64xf32>
    tpu.vector_store %arg7[%swap3A, %swap3A_42], %dot_general3A_41 {strides = array<i32>} : memref<1000x64xf32, #tpu.memory_space<vmem>>, vector<1000x64xf32>,
    %get3A_44 = arith.constant 0 : index
    %get3A_45 = arith.constant 0 : index
    %get3A_46 = vector.load %arg6[%get3A_44, %get3A_45] : memref<128x64xf32, #tpu.memory_space<vmem>>, vector<128x64xf32>
    %dot_general3A_47 = arith.constant dense<0.000000e+00> : vector<1000x64xf32>
    %dot_general3A_48 = tpu.matmul %max3A_37, %get3A_46, %dot_general3A_47 {dimension_numbers = #tpu.dot_dimension_numbers<[1], [0], [0], [1], [0, 0, 1, 1], [], []>, transpose_lhs_hint = false} : vector<1000x128xf32>, vector<128x64xf32>, vector<1000x64xf32> -> vector<1000x64xf32>
    %swap3A_49 = arith.constant 0 : index
    %swap3A_50 = arith.constant 0 : index
    %swap3A_51 = vector.load %arg8[%swap3A_49, %swap3A_50] : memref<1000x64xf32, #tpu.memory_space<vmem>>, vector<1000x64xf32>
    tpu.vector_store %arg8[%swap3A_49, %swap3A_50], %dot_general3A_48 {strides = array<i32>} : memref<1000x64xf32, #tpu.memory_space<vmem>>, vector<1000x64xf32>,
    return
  }
  func.func @transform_0(%arg0: i32) -> (i32, i32, i32) {
    %c0_i32 = arith.constant 0 : i32
    %c0_i32_0 = arith.constant 0 : i32
    %c0_i32_1 = arith.constant 0 : i32
    return %c0_i32, %arg0, %c0_i32_0 : i32, i32, i32
  }
  func.func @transform_1(%arg0: i32) -> (i32, i32, i32) {
    %c0_i32 = arith.constant 0 : i32
    %c0_i32_0 = arith.constant 0 : i32
    %c0_i32_1 = arith.constant 0 : i32
    return %c0_i32, %arg0, %c0_i32_0 : i32, i32, i32
  }
  func.func @transform_2(%arg0: i32) -> (i32, i32) {
    %c0_i32 = arith.constant 0 : i32
    %c0_i32_0 = arith.constant 0 : i32
    return %arg0, %c0_i32 : i32, i32
  }
  func.func @transform_3(%arg0: i32) -> (i32, i32) {
    %c0_i32 = arith.constant 0 : i32
    %c0_i32_0 = arith.constant 0 : i32
    %c0_i32_1 = arith.constant 0 : i32
    return %c0_i32, %c0_i32_0 : i32, i32
  }
  func.func @transform_4(%arg0: i32) -> (i32, i32) {
    %c0_i32 = arith.constant 0 : i32
    %c0_i32_0 = arith.constant 0 : i32
    %c0_i32_1 = arith.constant 0 : i32
    return %c0_i32, %c0_i32_0 : i32, i32
  }
  func.func @transform_5(%arg0: i32) -> (i32, i32) {
    %c0_i32 = arith.constant 0 : i32
    %c0_i32_0 = arith.constant 0 : i32
    %c0_i32_1 = arith.constant 0 : i32
    return %c0_i32, %c0_i32_0 : i32, i32
  }
  func.func @transform_6(%arg0: i32) -> (i32, i32) {
    %c0_i32 = arith.constant 0 : i32
    %c0_i32_0 = arith.constant 0 : i32
    return %arg0, %c0_i32 : i32, i32
  }
  func.func @transform_7(%arg0: i32) -> (i32, i32) {
    %c0_i32 = arith.constant 0 : i32
    %c0_i32_0 = arith.constant 0 : i32
    return %arg0, %c0_i32 : i32, i32
  }
}

module attributes {stable_mosaic.version = 14 : i64} {
  func.func @body(%arg0: i32, %arg1: memref<2x1000x64xf32, #tpu.memory_space<vmem>>, %arg2: memref<2x1000x8xf32, #tpu.memory_space<vmem>>, %arg3: memref<1000x64xf32, #tpu.memory_space<vmem>>, %arg4: memref<1x64xf32, #tpu.memory_space<vmem>>, %arg5: memref<1000x64xf32, #tpu.memory_space<vmem>>) attributes {dimension_semantics = [#tpu.dimension_semantics<arbitrary>], iteration_bounds = array<i64: 10>, scalar_prefetch = 0 : i64, scratch_operands = 0 : i64, tpu.core_type = #tpu.core_type<tc>, window_params = [{transform_indices = @transform_0, window_bounds = array<i64: 2, 1000, 64>}, {transform_indices = @transform_1, window_bounds = array<i64: 2, 1000, 8>}, {transform_indices = @transform_2, window_bounds = array<i64: 1000, 64>}, {pipeline_mode = #tpu.pipeline_mode<synchronous>, transform_indices = @transform_3, window_bounds = array<i64: 1, 64>}, {transform_indices = @transform_4, window_bounds = array<i64: 1000, 64>}]} {
    %get3A = arith.constant 0 : index
    %get3A_0 = arith.constant 0 : index
    %get3A_1 = arith.constant 0 : index
    %get3A_2 = vector.load %arg1[%get3A, %get3A_0, %get3A_1] : memref<2x1000x64xf32, #tpu.memory_space<vmem>>, vector<1x1000x64xf32>
    %get3A_3 = vector.shape_cast %get3A_2 : vector<1x1000x64xf32> to vector<1000x64xf32>
    %get3A_4 = arith.constant 1 : index
    %get3A_5 = arith.constant 0 : index
    %get3A_6 = arith.constant 0 : index
    %get3A_7 = vector.load %arg1[%get3A_4, %get3A_5, %get3A_6] : memref<2x1000x64xf32, #tpu.memory_space<vmem>>, vector<1x1000x64xf32>
    %get3A_8 = vector.shape_cast %get3A_7 : vector<1x1000x64xf32> to vector<1000x64xf32>
    %add3A = arith.addf %get3A_3, %get3A_8 : vector<1000x64xf32>
    %get3A_9 = arith.constant 0 : index
    %get3A_10 = arith.constant 0 : index
    %get3A_11 = arith.constant 0 : index
    %get3A_12 = vector.load %arg2[%get3A_9, %get3A_10, %get3A_11] : memref<2x1000x8xf32, #tpu.memory_space<vmem>>, vector<1x1000x8xf32>
    %get3A_13 = vector.shape_cast %get3A_12 : vector<1x1000x8xf32> to vector<1000x8xf32>
    %slice3A = vector.extract_strided_slice %get3A_13 {offsets = [0, 0], sizes = [1000, 1], strides = [1, 1]} : vector<1000x8xf32> to vector<1000x1xf32>
    %get3A_14 = arith.constant 1 : index
    %get3A_15 = arith.constant 0 : index
    %get3A_16 = arith.constant 0 : index
    %get3A_17 = vector.load %arg2[%get3A_14, %get3A_15, %get3A_16] : memref<2x1000x8xf32, #tpu.memory_space<vmem>>, vector<1x1000x8xf32>
    %get3A_18 = vector.shape_cast %get3A_17 : vector<1x1000x8xf32> to vector<1000x8xf32>
    %slice3A_19 = vector.extract_strided_slice %get3A_18 {offsets = [0, 0], sizes = [1000, 1], strides = [1, 1]} : vector<1000x8xf32> to vector<1000x1xf32>
    %add3A_20 = arith.addf %slice3A, %slice3A_19 : vector<1000x1xf32>
    %max3A = arith.constant 1.000000e+00 : f32
    %max3A_21 = vector.broadcast %max3A : f32 to vector<1000x1xf32>
    %max3A_22 = arith.maximumf %add3A_20, %max3A_21 : vector<1000x1xf32>
    %div3A = arith.constant 1.000000e+00 : f32
    %div3A_23 = vector.broadcast %div3A : f32 to vector<1000x1xf32>
    %div3A_24 = arith.divf %div3A_23, %max3A_22 : vector<1000x1xf32>
    %mul3A = vector.broadcast %div3A_24 : vector<1000x1xf32> to vector<1000x64xf32>
    %mul3A_25 = arith.mulf %add3A, %mul3A : vector<1000x64xf32>
    %get3A_26 = arith.constant 0 : index
    %get3A_27 = arith.constant 0 : index
    %get3A_28 = vector.load %arg3[%get3A_26, %get3A_27] : memref<1000x64xf32, #tpu.memory_space<vmem>>, vector<1000x64xf32>
    %add3A_29 = arith.addf %mul3A_25, %get3A_28 : vector<1000x64xf32>
    %get3A_30 = arith.constant 0 : index
    %get3A_31 = arith.constant 0 : index
    %get3A_32 = vector.load %arg4[%get3A_30, %get3A_31] : memref<1x64xf32, #tpu.memory_space<vmem>>, vector<1x64xf32>
    %add3A_33 = vector.broadcast %get3A_32 : vector<1x64xf32> to vector<1000x64xf32>
    %add3A_34 = arith.addf %add3A_29, %add3A_33 : vector<1000x64xf32>
    %reduce_max3A = arith.constant dense<0xFF800000> : vector<1000xf32>
    %reduce_max3A_35 = vector.multi_reduction <maximumf>, %add3A_34, %reduce_max3A [1] : vector<1000x64xf32> to vector<1000xf32>
    %broadcast_in_dim3A = vector.shape_cast %reduce_max3A_35 : vector<1000xf32> to vector<1000x1xf32>
    %sub3A = vector.broadcast %broadcast_in_dim3A : vector<1000x1xf32> to vector<1000x64xf32>
    %sub3A_36 = arith.subf %add3A_34, %sub3A : vector<1000x64xf32>
    %exp3A = math.exp %sub3A_36 : vector<1000x64xf32>
    %sub3A_37 = vector.broadcast %broadcast_in_dim3A : vector<1000x1xf32> to vector<1000x64xf32>
    %sub3A_38 = arith.subf %add3A_34, %sub3A_37 : vector<1000x64xf32>
    %reduce_sum3A = arith.constant dense<0.000000e+00> : vector<1000xf32>
    %reduce_sum3A_39 = vector.multi_reduction <add>, %exp3A, %reduce_sum3A [1] : vector<1000x64xf32> to vector<1000xf32>
    %broadcast_in_dim3A_40 = vector.shape_cast %reduce_sum3A_39 : vector<1000xf32> to vector<1000x1xf32>
    %log3A = math.log %broadcast_in_dim3A_40 : vector<1000x1xf32>
    %sub3A_41 = vector.broadcast %log3A : vector<1000x1xf32> to vector<1000x64xf32>
    %sub3A_42 = arith.subf %sub3A_38, %sub3A_41 : vector<1000x64xf32>
    %swap3A = arith.constant 0 : index
    %swap3A_43 = arith.constant 0 : index
    %swap3A_44 = vector.load %arg5[%swap3A, %swap3A_43] : memref<1000x64xf32, #tpu.memory_space<vmem>>, vector<1000x64xf32>
    tpu.vector_store %arg5[%swap3A, %swap3A_43], %sub3A_42 {strides = array<i32>} : memref<1000x64xf32, #tpu.memory_space<vmem>>, vector<1000x64xf32>,
    return
  }
  func.func @transform_0(%arg0: i32) -> (i32, i32, i32) {
    %c0_i32 = arith.constant 0 : i32
    %c0_i32_0 = arith.constant 0 : i32
    %c0_i32_1 = arith.constant 0 : i32
    return %c0_i32, %arg0, %c0_i32_0 : i32, i32, i32
  }
  func.func @transform_1(%arg0: i32) -> (i32, i32, i32) {
    %c0_i32 = arith.constant 0 : i32
    %c0_i32_0 = arith.constant 0 : i32
    %c0_i32_1 = arith.constant 0 : i32
    return %c0_i32, %arg0, %c0_i32_0 : i32, i32, i32
  }
  func.func @transform_2(%arg0: i32) -> (i32, i32) {
    %c0_i32 = arith.constant 0 : i32
    %c0_i32_0 = arith.constant 0 : i32
    return %arg0, %c0_i32 : i32, i32
  }
  func.func @transform_3(%arg0: i32) -> (i32, i32) {
    %c0_i32 = arith.constant 0 : i32
    %c0_i32_0 = arith.constant 0 : i32
    %c0_i32_1 = arith.constant 0 : i32
    return %c0_i32, %c0_i32_0 : i32, i32
  }
  func.func @transform_4(%arg0: i32) -> (i32, i32) {
    %c0_i32 = arith.constant 0 : i32
    %c0_i32_0 = arith.constant 0 : i32
    return %arg0, %c0_i32 : i32, i32
  }
}

</mosaic_0001>

<sc_bundles>
// kernel: kernel.12.cloned.1.call-start
scs
__scs_entry_jumppad:
0x0: {  	(pc) =	sbr.rel $0x88, $3  }
0x1: {  	(tag) =	ssettag $0x0;
	lr =	simm.s32 $0x1  }
0x2: {  	[smem:$0x3F99] =	sst lr;
	_ =	strace $0xD0000000  }
0x3: {  	_ = 	snop  }
0x4: {  	_ = 	snop  }
0x5: {  	_ = 	snop  }
0x6: {  	_ = 	snop  }
0x7: {  	_ = 	snop  }
__scs_overlays_trampoline_lowered:
0x8: {  	[smem:$0x3FA8] =	sst s0  }
0x9: {  	[smem:$0x3FA9] =	sst s1  }
0xa: {  	[smem:$0x3FAA] =	sst s2  }
0xb: {  	[smem:$0x3FAB] =	sst s3  }
0xc: {  	[smem:$0x3FAC] =	sst s4  }
0xd: {  	[smem:$0x3FAD] =	sst s5  }
0xe: {  	[smem:$0x3FAE] =	sst s6  }
0xf: {  	[smem:$0x3FAF] =	sst s7  }
0x10: {  	[smem:$0x3FB0] =	sst s8  }
0x11: {  	[smem:$0x3FB1] =	sst s9;
	s0 =	simm.s32 @!p0 $0x0  }
0x12: {  	s1 =	sld [smem:$0x3F97];
	s0 =	simm.s32 @p0 $0x1  }
0x13: {  	[smem:$0x3FB2] =	sst s0;
	s0 =	simm.s32 @!p1 $0x0  }
0x14: {  	s2 =	sld [smem:$0x3F96];
	s0 =	simm.s32 @p1 $0x1  }
0x15: {  	[smem:$0x3FB3] =	sst s0;
	s0 =	simm.s32 @!p2 $0x0  }
0x16: {  	s3 =	sld [smem:$0x3FDB];
	s0 =	simm.s32 @p2 $0x1  }
0x17: {  	s4 =	simm.s32 $0x1BF5;
	[smem:$0x3FB5] =	sst s0  }
0x18: {  	s0 =	sld [smem:$0x3F98];
	_ =	swait.ge [sflag:s4], $0x0  }
0x19: {  	s7 =	sld [smem:$0x3F99]  }
0x1a: {  	s8 =	sadd.s32 $0xFFFFE003, lr  }
0x1b: {  	s9 =	sadd.s32 $0xFFFFFEF7, lr;
	s5 =	simm.s32 $0xFFFFFFFF;
	p2 =	slt.u32 s8, $0xFFFFF086  }
0x1c: {  	p1 =	slt.u32 s9, $0xF7A;
	s5 =	simm.s32 @!p2 $0x0  }
0x1d: {  	s5 =	simm.s32 @p1 $0x1;
	p0 =	seq.s32 s7, s2  }
0x1e: {  	s7 =	smul.u32 @!p0 $0xF7A, s2;
	p2 =	seq.s32 @!p0 s5, $0x0  }
0x1f: {  	s9 =	smul.u32 $0xF7A, s1;
	s8 =	simm.s32 @!p0 $0x1BF5;
	p2 =	por !p2, p0  }
0x20: {  	[sflag:s8] =	ssyncset.s32 @!p0 $0xFFFFF086;
	s6 =	sadd.s32 @!p0 s3, s7;
	s7 =	simm.s32 @!p0 $0x108  }
0x21: {  	s3 =	sadd.s32 s3, s9;
	s6 =	sadd.s32 @!p0 $0x88, s6;
	s7 =	simm.s32 @p2 $0x1082  }
0x22: {  	[simem:s7], [sflag:s8] =	dma.local @!p0 [hbm:s6], $0xF7A  }
0x23: {  	s9 =	sor.u32 $0xD0000000, s2;
	s6 =	simm.s32 $0x108;
	_ =	swait.ge @!p0 [sflag:s8], $0x0  }
0x24: {  	s3 =	sadd.s32 $0x88, s3;
	s6 =	simm.s32 @!p1 $0x1082;
	[sflag:s4] =	ssyncset.s32 $0xFFFFF086  }
0x25: {  	[simem:s6], [sflag:s4] =	dma.local [hbm:s3], $0xF7A  }
0x26: {  	[smem:$0x3F99] =	sst s1;
	(tag) =	ssettag s2;
	_ =	strace s9  }
0x27: {  	s1 =	sld [smem:$0x3FA9]  }
0x28: {  	s2 =	sld [smem:$0x3FAA]  }
0x29: {  	s4 =	sld [smem:$0x3FAC]  }
0x2a: {  	p0 =	seq.s32 s5, $0x0;
	s5 =	sld [smem:$0x3FAD]  }
0x2b: {  	s6 =	sld [smem:$0x3FAE]  }
0x2c: {  	s7 =	sld [smem:$0x3FAF]  }
0x2d: {  	s3 =	simm.s32 $0x108;
	s8 =	sld [smem:$0x3FB0]  }
0x2e: {  	s3 =	simm.s32 @!p0 $0x1082;
	s9 =	sld [smem:$0x3FB1]  }
0x2f: {  	lr =	sadd.s32 s0, s3;
	s0 =	sld [smem:$0x3FA8]  }
0x30: {  	s3 =	sld [smem:$0x3FAB]  }
0x31: {  	[smem:$0x3FB4] =	sst s10  }
0x32: {  	s10 =	sld [smem:$0x3FB2];
	_ =	sdelay $0x3  }
0x33: {  	p0 =	seq.s32 s10, $0x1;
	s10 =	sld [smem:$0x3FB4];
	_ =	sdelay $0x3  }
0x34: {  	[smem:$0x3FB4] =	sst s10  }
0x35: {  	s10 =	sld [smem:$0x3FB3];
	_ =	sdelay $0x3  }
0x36: {  	p1 =	seq.s32 s10, $0x1;
	s10 =	sld [smem:$0x3FB4];
	_ =	sdelay $0x3  }
0x37: {  	[smem:$0x3FB4] =	sst s10  }
0x38: {  	s10 =	sld [smem:$0x3FB5]  }
0x39: {  	_ = 	snop;
	(pc) =	sbr.ind lr, $3  }
0x3a: {  	_ = 	snop  }
0x3b: {  	_ = 	snop  }
0x3c: {  	p2 =	seq.s32 s10, $0x1;
	s10 =	sld [smem:$0x3FB4]  }
0x3d: {  	_ =	shalt  }
0x3e: {  	_ =	shalt  }
0x3f: {  	_ =	shalt  }
0x40: {  	_ =	shalt  }
0x41: {  	_ =	shalt  }
0x42: {  	_ =	shalt  }
0x43: {  	_ =	shalt  }
0x44: {  	_ =	shalt  }
0x45: {  	_ =	shalt  }
0x46: {  	_ =	shalt  }
0x47: {  	_ =	shalt  }
0x48: {  	_ =	shalt  }
0x49: {  	_ =	shalt  }
0x4a: {  	_ =	shalt  }
0x4b: {  	_ =	shalt  }
0x4c: {  	_ =	shalt  }
0x4d: {  	_ =	shalt  }
0x4e: {  	_ =	shalt  }
0x4f: {  	_ =	shalt  }
0x50: {  	_ =	shalt  }
0x51: {  	_ =	shalt  }
0x52: {  	_ =	shalt  }
0x53: {  	_ =	shalt  }
0x54: {  	_ =	shalt  }
0x55: {  	_ =	shalt  }
0x56: {  	_ =	shalt  }
0x57: {  	_ =	shalt  }
0x58: {  	_ =	shalt  }
0x59: {  	_ =	shalt  }
0x5a: {  	_ =	shalt  }
0x5b: {  	_ =	shalt  }
0x5c: {  	_ =	shalt  }
0x5d: {  	_ =	shalt  }
0x5e: {  	_ =	shalt  }
0x5f: {  	_ =	shalt  }
0x60: {  	_ =	shalt  }
0x61: {  	_ =	shalt  }
0x62: {  	_ =	shalt  }
0x63: {  	_ =	shalt  }
0x64: {  	_ =	shalt  }
0x65: {  	_ =	shalt  }
0x66: {  	_ =	shalt  }
0x67: {  	_ =	shalt  }
0x68: {  	_ =	shalt  }
0x69: {  	_ =	shalt  }
0x6a: {  	_ =	shalt  }
0x6b: {  	_ =	shalt  }
0x6c: {  	_ =	shalt  }
0x6d: {  	_ =	shalt  }
0x6e: {  	_ =	shalt  }
0x6f: {  	_ =	shalt  }
0x70: {  	_ =	shalt  }
0x71: {  	_ =	shalt  }
0x72: {  	_ =	shalt  }
0x73: {  	_ =	shalt  }
0x74: {  	_ =	shalt  }
0x75: {  	_ =	shalt  }
0x76: {  	_ =	shalt  }
0x77: {  	_ =	shalt  }
0x78: {  	_ =	shalt  }
0x79: {  	_ =	shalt  }
0x7a: {  	_ =	shalt  }
0x7b: {  	_ =	shalt  }
0x7c: {  	_ =	shalt  }
0x7d: {  	_ =	shalt  }
0x7e: {  	_ =	shalt  }
0x7f: {  	_ =	shalt  }
0x80: {  	_ =	shalt  }
0x81: {  	_ =	shalt  }
0x82: {  	_ =	shalt  }
0x83: {  	_ =	shalt  }
0x84: {  	_ =	shalt  }
0x85: {  	_ =	shalt  }
0x86: {  	_ =	shalt  }
0x87: {  	_ =	shalt  }
.Lfunc_end0:
.L_simem_size_0:
called_computation.1_lowered:
.L_overlay_start_0:
0x88: {  	s2 =	sld [smem:$0x3FD9]  }
0x89: {  	s3 =	sld [smem:$0x3FFE];
	_ =	sdelay $0x1  }
0x8a: {  	s1 =	srdreg.scid  }
0x8b: {  	s0 =	sand.u32 $0x1, s1  }
0x8c: {  	s17 =	sshll.u32 s0, $0xA;
	s2 =	sadd.s32 s3, s2  }
0x8d: {  	s2 =	sadd.s32 s2, s17  }
0x8e: {  	[smem:$0x3FC0] =	sst s2  }
0x8f: {  	_ = 	snop  }
0x90: {  	(tm) =	ssettm $0x1  }
0x91: {  	s18 =	sld [smem:$0x3FFB];
	_ =	sdelay $0x3  }
0x92: {  	_ =	strace s18  }
0x93: {  	s2 =	sld [smem:$0x3FFC];
	_ =	sdelay $0x3  }
0x94: {  	_ =	strace s2  }
0x95: {  	s2 =	sld [smem:$0x3FFD];
	_ =	sdelay $0x3  }
0x96: {  	_ =	strace s2  }
0x97: {  	_ =	strace $0x8FFFFFFF  }
0x98: {  	s19 =	sld [smem:$0x3FDB];
	_ =	sdelay $0x1  }
0x99: {  	s20 =	simm.s32 $_scs_section_size  }
0x9a: {  	s4 =	simm.s32 $_size__tile_overlayer_lowered;
	s5 =	simm.s32 $_tile_overlayer_lowered  }
0x9b: {  	s6 =	simm.s32 $0x1BFF;
	s21 =	sshll.u32 s5, $0x1;
	s3 =	sadd.s32 s20, s19  }
0x9c: {  	s22 =	simm.s32 $0x0;
	s4 =	sshll.u32 s4, $0x1;
	s5 =	sadd.s32 s21, s3  }
0x9d: {  	[timem:s22], [sflag:s6] =	dma.local [hbm:s5], s4  }
0x9e: {  	_ =	swait.ge [sflag:s6], s4  }
0x9f: {  	s4 =	ssub.s32 $0x0, s4;
	[sflag:s6] =	ssyncset.done $0x0  }
0xa0: {  	[sflag:s6] =	ssyncadd.s32 s4;
	_ =	sdelay $0x1  }
0xa1: {  	s23 =	simm.s32 $0x1B8B  }
0xa2: {  	_ =	swait.ge [sflag:s23], $0x1  }
0xa3: {  	[sflag:s23] =	ssyncset.done $0x0  }
0xa4: {  	[sflag:s23] =	ssyncadd.s32 $0xFFFFFFFF  }
0xa5: {  	s4 =	sld [smem:$0x0]  }
0xa6: {  	s5 =	sand.u32 $0xFFFFFFFE, s1  }
0xa7: {  	p0 =	sne.s32 s1, s5  }
0xa8: {  	s5 =	sshll.u32 @p0 s5, $0xE  }
0xa9: {  	s5 =	sadd.s32 @p0 $0x11B8D, s5;
	s6 =	sshll.u32 @p0 s4, $0x11  }
0xaa: {  	s5 =	sor.u32 @p0 s6, s5  }
0xab: {  	[sflag:s5] =	ssyncadd.remote.s32 @p0 $0x1;
	_ =	sdelay $0x1  }
0xac: {  	s5 =	simm.s32 @p0 $0x1B8D  }
0xad: {  	_ =	swait.eq @p0 [sflag:s5], $0x1  }
0xae: {  	[sflag:s5] =	ssyncadd.s32 @p0 $0xFFFFFFFF  }
0xaf: {  	s6 =	sshll.u32 @!p0 s1, $0xE  }
0xb0: {  	s6 =	sor.u32 @!p0 $0x4000, s6;
	s5 =	simm.s32 @!p0 $0x1B8D  }
0xb1: {  	s4 =	sshll.u32 @!p0 s4, $0x11;
	s6 =	sadd.s32 @!p0 $0x11B8D, s6;
	_ =	swait.eq @!p0 [sflag:s5], $0x1  }
0xb2: {  	s4 =	sor.u32 @!p0 s4, s6;
	[sflag:s5] =	ssyncadd.s32 @!p0 $0xFFFFFFFF  }
0xb3: {  	s25 =	simm.s32 $0x1B8E;
	s24 =	sld [smem:$0x3FFE];
	[sflag:s4] =	ssyncadd.remote.s32 @!p0 $0x1  }
0xb4: {  	s26 =	simm.s32 $execute0_lowered;
	[smem:$0x3FD2] =	sst s25  }
0xb5: {  	s5 =	sshll.u32 s26, $0x1;
	_ =	strace $0x80000049;
	[dreg:$0x1] =	wrdreg $0xFFFFFFFF  }
0xb6: {  	s28 =	simm.s32 $_size_execute0_lowered;
	s3 =	sadd.s32 s3, s5;
	[dreg:$0x0] =	wrdreg $0x0  }
0xb7: {  	s5 =	sshll.u32 s28, $0x1;
	[dreg:$0x2] =	wrdreg s3  }
0xb8: {  	[dreg:$0x3] =	wrdreg s5  }
0xb9: {  	[dreg:$0x4] =	wrdreg $0xC0  }
0xba: {  	_ =	task [dreg:s22], $0x5FFFF  }
0xbb: {  	[dreg:$0x1] =	wrdreg $0xFFFFFFFF  }
0xbc: {  	[dreg:$0x0] =	wrdreg $0x60  }
0xbd: {  	[dreg:$0x2] =	wrdreg s24  }
0xbe: {  	[dreg:$0x3] =	wrdreg $0x9E200  }
0xbf: {  	[dreg:$0x4] =	wrdreg $0xA  }
0xc0: {  	_ =	task.clear_ibuf [dreg:s22], $0x5FFFF;
	_ =	strace $0x90000049  }
0xc1: {  	s29 =	simm.s32 $0xA;
	_ =	strace $0x8000004B  }
0xc2: {  	_ =	swait.ge [sflag:s29], $0x1  }
0xc3: {  	[sflag:s29] =	ssyncadd.s32 $0xFFFFFFFF  }
0xc4: {  	_ =	strace $0x9000004B  }
0xc5: {  	_ =	sfence  }
0xc6: {  	s30 =	sld [smem:$0x0];
	_ =	sdelay $0x2  }
0xc7: {  	s31 =	sshll.u32 s1, $0xD;
	s1 =	sshrl.u32 s1, $0x2  }
0xc8: {  	s4 =	sand.u32 $0x4000, s31;
	s1 =	sadd.s32 s1, s30  }
0xc9: {  	s0 =	sor.u32 s4, s0;
	s1 =	sshll.u32 s1, $0x11  }
0xca: {  	s0 =	sor.u32 s1, s0  }
0xcb: {  	s0 =	sadd.s32 $0x8F2B, s0  }
0xcc: {  	[sflag:s0] =	ssyncadd.remote.s32 $0x1  }
0xcd: {  	_ =	sfence.sel $0xFFFF  }
0xce: {  	[dreg:$0x0] =	wrdreg $0xFFFFFFFF;
	(pc) =	sbr.abs _section_cstart, $3  }
0xcf: {  	[dreg:$0x1] =	wrdreg $0xFFFFFFFF  }
0xd0: {  	_ =	task.clear_ibuf [dreg:s22], $0x2FFFF;
	_ =	strace $0x9FFFFFFF  }
0xd1: {  	(tm) =	ssettm $0x7FFFFFFF  }
tec
execute0_lowered:
.L_overlay_start_1:
0x0: {  	(tag) =	ssettag $0x1  }
0x1: {  	s6 =	rddreg [dreg:$0x0]  }
0x2: {  	s0 =	srdreg.scid;
	s2 =	rddreg [dreg:$0x1]  }
0x3: {  	s3 =	simm.s32 $0x0;
	s14 =	simm.s32 $0x1;
	s15 =	simm.s32 $0x2  }
0x4: {  	s16 =	simm.s32 $0x50;
	s17 =	simm.s32 $0x4E20;
	s18 =	simm.s32 $0x7620  }
0x5: {  	s19 =	simm.s32 $0x4DD0;
	s5 =	sand.u32 $0x1, s0;
	s0 =	stileid.u32  }
0x6: {  	s20 =	simm.s32 $0x0;
	[smem:$0x7FF] =	sst s3;
	s8 =	smul.u32 $0x14000, s0  }
0x7: {  	s4 =	sadd.s32 $0x17C00, s6;
	s1 =	sshll.u32 s5, $0x4;
	s9 =	smul.u32 $0x140000, s5  }
0x8: {  	s5 =	ssub.s32 $0x2, s5;
	s12 =	sshll.u32 s0, $0x6;
	s1 =	sor.u32 s0, s1  }
0x9: {  	s11 =	sshrl.u32 s5, $0x1;
	s7 =	smul.u32 $0x4E2, s1;
	s1 =	rddreg [dreg:$0x2]  }
0xa: {  	_ =	strace $0x8000004A;
	s9 =	sadd.s32 s8, s9;
	s10 =	sshrl.u32 s8, $0x3  }
0xb: {  	s11 =	ssub.s32 s5, s11;
	s13 =	sadd.s32 s8, s2;
	s8 =	sor.u32 $0x1C03, s12  }
0xc: {  	s9 =	sshrl.u32 s9, $0x3;
	s10 =	sadd.s32 s10, s6;
	s12 =	sshrl.u32 s13, $0x3  }
0xd: {  	s13 =	simm.s32 $0x3;
	s7 =	sadd.s32 s7, s6;
	s9 =	sadd.s32 s9, s6  }
0xe: {  	s5 =	sadd.s32 $0xB400, s7;
	s6 =	sadd.s32 $0x1600, s7;
	s7 =	sadd.s32 $0x3EE00, s10  }
0xf: {  	s9 =	sadd.s32 $0x66E00, s9;
	s10 =	smax.u32 s11, $0x1;
	s11 =	simm.s32 $0x2710  }
.LBB2_1:
0x10: {  	[tilespmem:s3], [sflag:$0x1] =	stream.linear.gather [hbm4b:s5+s3], $0x2710, $0x38;
	[tilespmem:$0x1DE20] =	vst v63  }
0x11: {  	_ = 	snop  }
0x12: {  	[tilespmem:s11], [sflag:$0x2] =	stream.linear.gather [hbm4b:s6+s3], $0x2710, $0x38;
	[tilespmem:$0x1DE20] =	vst v63  }
0x13: {  	[spmem:s12], [sflag:s8] =	dma.local [hbm:s7], $0x2800  }
0x14: {  	_ =	swait.ge [sflag:s13], $0x2800  }
0x15: {  	[sflag:s13] =	ssyncset.done $0x0  }
0x16: {  	[sflag:s13] =	ssyncadd.s32 $0xFFFFD800  }
0x17: {  	_ =	swait.ge [sflag:s14], $0x2710  }
0x18: {  	[sflag:s14] =	ssyncset.done $0x0  }
0x19: {  	[sflag:s14] =	ssyncadd.s32 $0xFFFFD8F0  }
0x1a: {  	_ =	swait.ge [sflag:s15], $0x2710  }
0x1b: {  	[sflag:s15] =	ssyncset.done $0x0  }
0x1c: {  	[sflag:s15] =	ssyncadd.s32 $0xFFFFD8F0  }
0x1d: {  	[bflag:$0x0] =	sbarrier.arrive $0xFFFF  }
0x1e: {  	[tilespmem:s17], [sflag:$0x1] =	stream.indirect.gather [hbm4b:s4+s16], $0x80, s3, s16, $0xb8;
	[tilespmem:$0x1DE20] =	vst v63  }
0x1f: {  	s21 =	simm.s32 $0x50  }
0x20: {  	[tilespmem:s18], [sflag:$0x2] =	stream.indirect.gather [hbm4b:s4+s16], $0x80, s21, s16, $0xb8;
	[tilespmem:$0x1DE20] =	vst v63  }
0x21: {  	_ =	swait.ge [sflag:s14], $0x2800  }
0x22: {  	[sflag:s14] =	ssyncset.done $0x0  }
0x23: {  	s29 =	simm.s32 $0x2710;
	[sflag:s14] =	ssyncadd.s32 $0xFFFFD800  }
0x24: {  	[spmem:s2] =	stream.indirect.scatter.add.f32 [tilespmem:s17], [sflag:$0x3], $0x80, s29, s16, $0xb8;
	[tilespmem:$0x1DE20] =	vst v63  }
0x25: {  	_ =	swait.ge [sflag:s13], $0x2800  }
0x26: {  	[sflag:s13] =	ssyncset.done $0x0  }
0x27: {  	s30 =	simm.s32 $0xA0;
	[sflag:s13] =	ssyncadd.s32 $0xFFFFD800  }
0x28: {  	[tilespmem:s17], [sflag:$0x1] =	stream.indirect.gather [hbm4b:s4+s16], $0x80, s30, s16, $0xb8;
	[tilespmem:$0x1DE20] =	vst v63  }
0x29: {  	_ =	swait.ge [sflag:s15], $0x2800  }
0x2a: {  	[sflag:s15] =	ssyncset.done $0x0  }
0x2b: {  	s31 =	simm.s32 $0x2760;
	[sflag:s15] =	ssyncadd.s32 $0xFFFFD800  }
0x2c: {  	[spmem:s2] =	stream.indirect.scatter.add.f32 [tilespmem:s18], [sflag:$0x3], $0x80, s31, s16, $0xb8;
	[tilespmem:$0x1DE20] =	vst v63  }
0x2d: {  	_ =	swait.ge [sflag:s13], $0x2800  }
0x2e: {  	s22 =	simm.s32 $0x500;
	s21 =	simm.s32 $0xA0;
	[sflag:s13] =	ssyncset.done $0x0  }
.LBB2_2:
0x2f: {  	s23 =	sadd.s32 $0x50, s21  }
0x30: {  	[sflag:s13] =	ssyncadd.s32 $0xFFFFD800;
	s24 =	smov.u32 s22;
	s25 =	sadd.s32 $0x280, s22  }
0x31: {  	[tilespmem:s18], [sflag:$0x2] =	stream.indirect.gather [hbm4b:s4+s16], $0x80, s23, s16, $0xb8;
	[tilespmem:$0x1DE20] =	vst v63  }
0x32: {  	p0 =	sne.s32 s22, $0x9880;
	_ =	swait.ge [sflag:s14], $0x2800  }
0x33: {  	[sflag:s14] =	ssyncset.done $0x0  }
0x34: {  	s22 =	sadd.s32 $0x2710, s21;
	[sflag:s14] =	ssyncadd.s32 $0xFFFFD800  }
0x35: {  	[spmem:s2] =	stream.indirect.scatter.add.f32 [tilespmem:s17], [sflag:$0x3], $0x80, s22, s16, $0xb8;
	[tilespmem:$0x1DE20] =	vst v63  }
0x36: {  	_ =	swait.ge [sflag:s13], $0x2800  }
0x37: {  	[sflag:s13] =	ssyncset.done $0x0  }
0x38: {  	s22 =	sadd.s32 $0xA0, s21;
	[sflag:s13] =	ssyncadd.s32 $0xFFFFD800  }
0x39: {  	[tilespmem:s17], [sflag:$0x1] =	stream.indirect.gather [hbm4b:s4+s16], $0x80, s22, s16, $0xb8;
	[tilespmem:$0x1DE20] =	vst v63  }
0x3a: {  	_ =	swait.ge [sflag:s15], $0x2800  }
.Ltmp0:
0x3b: {  	[sflag:s15] =	ssyncset.done $0x0;
	(pc) =	sbr.rel @p0 .LBB2_2-.Ltmp0, $4  }
0x3c: {  	s21 =	sadd.s32 $0x2760, s21;
	[sflag:s15] =	ssyncadd.s32 $0xFFFFD800  }
0x3d: {  	[spmem:s2] =	stream.indirect.scatter.add.f32 [tilespmem:s18], [sflag:$0x3], $0x80, s21, s16, $0xb8;
	[tilespmem:$0x1DE20] =	vst v63  }
0x3e: {  	_ =	swait.ge [sflag:s13], $0x2800  }
0x3f: {  	s22 =	smov.u32 s25;
	s21 =	sshra.s32 s24, $0x2;
	[sflag:s13] =	ssyncset.done $0x0  }
0x40: {  	s22 =	sadd.s32 $0x50, s21;
	[sflag:s13] =	ssyncadd.s32 $0xFFFFD800  }
0x41: {  	[tilespmem:s18], [sflag:$0x2] =	stream.indirect.gather [hbm4b:s4+s16], $0x80, s22, s16, $0xb8;
	[tilespmem:$0x1DE20] =	vst v63  }
0x42: {  	_ =	swait.ge [sflag:s14], $0x2800  }
0x43: {  	[sflag:s14] =	ssyncset.done $0x0  }
0x44: {  	s29 =	sadd.s32 $0x2710, s21;
	[sflag:s14] =	ssyncadd.s32 $0xFFFFD800  }
0x45: {  	[spmem:s2] =	stream.indirect.scatter.add.f32 [tilespmem:s17], [sflag:$0x3], $0x80, s29, s16, $0xb8;
	[tilespmem:$0x1DE20] =	vst v63  }
0x46: {  	_ =	swait.ge [sflag:s13], $0x2800  }
0x47: {  	[sflag:s13] =	ssyncset.done $0x0  }
0x48: {  	s30 =	sadd.s32 $0xA0, s21;
	[sflag:s13] =	ssyncadd.s32 $0xFFFFD800  }
0x49: {  	[tilespmem:s17], [sflag:$0x1] =	stream.indirect.gather [hbm4b:s4+s16], $0x80, s30, s16, $0xb8;
	[tilespmem:$0x1DE20] =	vst v63  }
0x4a: {  	_ =	swait.ge [sflag:s15], $0x2800  }
0x4b: {  	[sflag:s15] =	ssyncset.done $0x0  }
0x4c: {  	s31 =	sadd.s32 $0x2760, s21;
	[sflag:s15] =	ssyncadd.s32 $0xFFFFD800  }
0x4d: {  	[spmem:s2] =	stream.indirect.scatter.add.f32 [tilespmem:s18], [sflag:$0x3], $0x80, s31, s16, $0xb8;
	[tilespmem:$0x1DE20] =	vst v63  }
0x4e: {  	_ =	swait.ge [sflag:s13], $0x2800  }
0x4f: {  	[sflag:s13] =	ssyncset.done $0x0  }
0x50: {  	[sflag:s13] =	ssyncadd.s32 $0xFFFFD800  }
0x51: {  	_ =	swait.ge [sflag:s14], $0x2800  }
0x52: {  	[sflag:s14] =	ssyncset.done $0x0  }
0x53: {  	[sflag:s14] =	ssyncadd.s32 $0xFFFFD800  }
0x54: {  	[spmem:s2] =	stream.indirect.scatter.add.f32 [tilespmem:s17], [sflag:$0x3], $0x80, s19, s16, $0xb8;
	[tilespmem:$0x1DE20] =	vst v63  }
0x55: {  	_ =	swait.ge [sflag:s13], $0x2800  }
0x56: {  	s20 =	sadd.s32 $0x1, s20;
	[sflag:s13] =	ssyncset.done $0x0  }
0x57: {  	p0 =	sne.s32 s20, s10;
	[sflag:s13] =	ssyncadd.s32 $0xFFFFD800  }
.Ltmp1:
0x58: {  	[bflag:$0x0] =	sbarrier.arrive $0xFFFF;
	(pc) =	sbr.rel @p0 .LBB2_1-.Ltmp1, $4  }
0x59: {  	[hbm:s9], [sflag:s8] =	dma.local [spmem:s12], $0x2800  }
0x5a: {  	_ =	swait.ge [sflag:s13], $0x2800  }
0x5b: {  	[sflag:s13] =	ssyncset.done $0x0  }
0x5c: {  	[sflag:s13] =	ssyncadd.s32 $0xFFFFD800  }
0x5d: {  	_ =	sfence.sel $0x180000  }
0x5e: {  	[bflag:$0x0] =	sbarrier.arrive $0xFFFF  }
0x5f: {  	p0 =	sne.s32 s0, $0x0;
	_ =	strace $0x9000004A  }
0x60: {  	s0 =	sadd.s32 @!p0 $0x100000, s1;
	[bflag:$0x2] =	sbarrier.arrive $0xFFFF  }
0x61: {  	[sflag:s0] =	ssyncadd.tile.s32 @!p0 $0x1;
	_ =	shalt  }
.Lfunc_end2:
_tile_overlayer_lowered:
.L_overlay_start_2:
0x62: {  	(tag) =	ssettag $0x2  }
0x63: {  	s0 =	rddreg [dreg:$0x0];
	s2 =	stileid.u32  }
0x64: {  	s1 =	rddreg [dreg:$0x1];
	p0 =	sne.s32 s2, $0x0  }
0x65: {  	s3 =	rddreg [dreg:$0x2];
	[bflag:$0x3] =	sbarrier.arrive $0xFFFF;
	s2 =	simm.s32 @!p0 $0x1C03  }
0x66: {  	[timem:s3], [sflag:s2] =	dma.local @!p0 [hbm:s0], s1  }
0x67: {  	s0 =	simm.s32 @!p0 $0x3  }
0x68: {  	_ =	swait.ge @!p0 [sflag:s0], s1  }
0x69: {  	s1 =	ssub.s32 @!p0 $0x0, s1;
	[sflag:s0] =	ssyncset.done @!p0 $0x0  }
0x6a: {  	[sflag:s0] =	ssyncadd.s32 @!p0 s1  }
0x6b: {  	[bflag:$0x3] =	sbarrier.arrive $0xFFFF  }
0x6c: {  	_ =	shalt  }

// kernel: kernel.15.cloned.1.call-start
scs
__scs_entry_jumppad:
0x0: {  	(pc) =	sbr.rel $0x88, $3  }
0x1: {  	(tag) =	ssettag $0x0;
	lr =	simm.s32 $0x1  }
0x2: {  	[smem:$0x3F99] =	sst lr;
	_ =	strace $0xD0000000  }
0x3: {  	_ = 	snop  }
0x4: {  	_ = 	snop  }
0x5: {  	_ = 	snop  }
0x6: {  	_ = 	snop  }
0x7: {  	_ = 	snop  }
__scs_overlays_trampoline_lowered:
0x8: {  	[smem:$0x3FA8] =	sst s0  }
0x9: {  	[smem:$0x3FA9] =	sst s1  }
0xa: {  	[smem:$0x3FAA] =	sst s2  }
0xb: {  	[smem:$0x3FAB] =	sst s3  }
0xc: {  	[smem:$0x3FAC] =	sst s4  }
0xd: {  	[smem:$0x3FAD] =	sst s5  }
0xe: {  	[smem:$0x3FAE] =	sst s6  }
0xf: {  	[smem:$0x3FAF] =	sst s7  }
0x10: {  	[smem:$0x3FB0] =	sst s8  }
0x11: {  	[smem:$0x3FB1] =	sst s9;
	s0 =	simm.s32 @!p0 $0x0  }
0x12: {  	s1 =	sld [smem:$0x3F97];
	s0 =	simm.s32 @p0 $0x1  }
0x13: {  	[smem:$0x3FB2] =	sst s0;
	s0 =	simm.s32 @!p1 $0x0  }
0x14: {  	s2 =	sld [smem:$0x3F96];
	s0 =	simm.s32 @p1 $0x1  }
0x15: {  	[smem:$0x3FB3] =	sst s0;
	s0 =	simm.s32 @!p2 $0x0  }
0x16: {  	s3 =	sld [smem:$0x3FDB];
	s0 =	simm.s32 @p2 $0x1  }
0x17: {  	s4 =	simm.s32 $0x1BF5;
	[smem:$0x3FB5] =	sst s0  }
0x18: {  	s0 =	sld [smem:$0x3F98];
	_ =	swait.ge [sflag:s4], $0x0  }
0x19: {  	s7 =	sld [smem:$0x3F99]  }
0x1a: {  	s8 =	sadd.s32 $0xFFFFE003, lr  }
0x1b: {  	s9 =	sadd.s32 $0xFFFFFEF7, lr;
	s5 =	simm.s32 $0xFFFFFFFF;
	p2 =	slt.u32 s8, $0xFFFFF086  }
0x1c: {  	p1 =	slt.u32 s9, $0xF7A;
	s5 =	simm.s32 @!p2 $0x0  }
0x1d: {  	s5 =	simm.s32 @p1 $0x1;
	p0 =	seq.s32 s7, s2  }
0x1e: {  	s7 =	smul.u32 @!p0 $0xF7A, s2;
	p2 =	seq.s32 @!p0 s5, $0x0  }
0x1f: {  	s9 =	smul.u32 $0xF7A, s1;
	s8 =	simm.s32 @!p0 $0x1BF5;
	p2 =	por !p2, p0  }
0x20: {  	[sflag:s8] =	ssyncset.s32 @!p0 $0xFFFFF086;
	s6 =	sadd.s32 @!p0 s3, s7;
	s7 =	simm.s32 @!p0 $0x108  }
0x21: {  	s3 =	sadd.s32 s3, s9;
	s6 =	sadd.s32 @!p0 $0x88, s6;
	s7 =	simm.s32 @p2 $0x1082  }
0x22: {  	[simem:s7], [sflag:s8] =	dma.local @!p0 [hbm:s6], $0xF7A  }
0x23: {  	s9 =	sor.u32 $0xD0000000, s2;
	s6 =	simm.s32 $0x108;
	_ =	swait.ge @!p0 [sflag:s8], $0x0  }
0x24: {  	s3 =	sadd.s32 $0x88, s3;
	s6 =	simm.s32 @!p1 $0x1082;
	[sflag:s4] =	ssyncset.s32 $0xFFFFF086  }
0x25: {  	[simem:s6], [sflag:s4] =	dma.local [hbm:s3], $0xF7A  }
0x26: {  	[smem:$0x3F99] =	sst s1;
	(tag) =	ssettag s2;
	_ =	strace s9  }
0x27: {  	s1 =	sld [smem:$0x3FA9]  }
0x28: {  	s2 =	sld [smem:$0x3FAA]  }
0x29: {  	s4 =	sld [smem:$0x3FAC]  }
0x2a: {  	p0 =	seq.s32 s5, $0x0;
	s5 =	sld [smem:$0x3FAD]  }
0x2b: {  	s6 =	sld [smem:$0x3FAE]  }
0x2c: {  	s7 =	sld [smem:$0x3FAF]  }
0x2d: {  	s3 =	simm.s32 $0x108;
	s8 =	sld [smem:$0x3FB0]  }
0x2e: {  	s3 =	simm.s32 @!p0 $0x1082;
	s9 =	sld [smem:$0x3FB1]  }
0x2f: {  	lr =	sadd.s32 s0, s3;
	s0 =	sld [smem:$0x3FA8]  }
0x30: {  	s3 =	sld [smem:$0x3FAB]  }
0x31: {  	[smem:$0x3FB4] =	sst s10  }
0x32: {  	s10 =	sld [smem:$0x3FB2];
	_ =	sdelay $0x3  }
0x33: {  	p0 =	seq.s32 s10, $0x1;
	s10 =	sld [smem:$0x3FB4];
	_ =	sdelay $0x3  }
0x34: {  	[smem:$0x3FB4] =	sst s10  }
0x35: {  	s10 =	sld [smem:$0x3FB3];
	_ =	sdelay $0x3  }
0x36: {  	p1 =	seq.s32 s10, $0x1;
	s10 =	sld [smem:$0x3FB4];
	_ =	sdelay $0x3  }
0x37: {  	[smem:$0x3FB4] =	sst s10  }
0x38: {  	s10 =	sld [smem:$0x3FB5]  }
0x39: {  	_ = 	snop;
	(pc) =	sbr.ind lr, $3  }
0x3a: {  	_ = 	snop  }
0x3b: {  	_ = 	snop  }
0x3c: {  	p2 =	seq.s32 s10, $0x1;
	s10 =	sld [smem:$0x3FB4]  }
0x3d: {  	_ =	shalt  }
0x3e: {  	_ =	shalt  }
0x3f: {  	_ =	shalt  }
0x40: {  	_ =	shalt  }
0x41: {  	_ =	shalt  }
0x42: {  	_ =	shalt  }
0x43: {  	_ =	shalt  }
0x44: {  	_ =	shalt  }
0x45: {  	_ =	shalt  }
0x46: {  	_ =	shalt  }
0x47: {  	_ =	shalt  }
0x48: {  	_ =	shalt  }
0x49: {  	_ =	shalt  }
0x4a: {  	_ =	shalt  }
0x4b: {  	_ =	shalt  }
0x4c: {  	_ =	shalt  }
0x4d: {  	_ =	shalt  }
0x4e: {  	_ =	shalt  }
0x4f: {  	_ =	shalt  }
0x50: {  	_ =	shalt  }
0x51: {  	_ =	shalt  }
0x52: {  	_ =	shalt  }
0x53: {  	_ =	shalt  }
0x54: {  	_ =	shalt  }
0x55: {  	_ =	shalt  }
0x56: {  	_ =	shalt  }
0x57: {  	_ =	shalt  }
0x58: {  	_ =	shalt  }
0x59: {  	_ =	shalt  }
0x5a: {  	_ =	shalt  }
0x5b: {  	_ =	shalt  }
0x5c: {  	_ =	shalt  }
0x5d: {  	_ =	shalt  }
0x5e: {  	_ =	shalt  }
0x5f: {  	_ =	shalt  }
0x60: {  	_ =	shalt  }
0x61: {  	_ =	shalt  }
0x62: {  	_ =	shalt  }
0x63: {  	_ =	shalt  }
0x64: {  	_ =	shalt  }
0x65: {  	_ =	shalt  }
0x66: {  	_ =	shalt  }
0x67: {  	_ =	shalt  }
0x68: {  	_ =	shalt  }
0x69: {  	_ =	shalt  }
0x6a: {  	_ =	shalt  }
0x6b: {  	_ =	shalt  }
0x6c: {  	_ =	shalt  }
0x6d: {  	_ =	shalt  }
0x6e: {  	_ =	shalt  }
0x6f: {  	_ =	shalt  }
0x70: {  	_ =	shalt  }
0x71: {  	_ =	shalt  }
0x72: {  	_ =	shalt  }
0x73: {  	_ =	shalt  }
0x74: {  	_ =	shalt  }
0x75: {  	_ =	shalt  }
0x76: {  	_ =	shalt  }
0x77: {  	_ =	shalt  }
0x78: {  	_ =	shalt  }
0x79: {  	_ =	shalt  }
0x7a: {  	_ =	shalt  }
0x7b: {  	_ =	shalt  }
0x7c: {  	_ =	shalt  }
0x7d: {  	_ =	shalt  }
0x7e: {  	_ =	shalt  }
0x7f: {  	_ =	shalt  }
0x80: {  	_ =	shalt  }
0x81: {  	_ =	shalt  }
0x82: {  	_ =	shalt  }
0x83: {  	_ =	shalt  }
0x84: {  	_ =	shalt  }
0x85: {  	_ =	shalt  }
0x86: {  	_ =	shalt  }
0x87: {  	_ =	shalt  }
.Lfunc_end0:
.L_simem_size_0:
called_computation.2_lowered:
.L_overlay_start_0:
0x88: {  	s2 =	sld [smem:$0x3FD9]  }
0x89: {  	s3 =	sld [smem:$0x3FFE];
	_ =	sdelay $0x1  }
0x8a: {  	s1 =	srdreg.scid  }
0x8b: {  	s0 =	sand.u32 $0x1, s1  }
0x8c: {  	s17 =	sshll.u32 s0, $0xA;
	s2 =	sadd.s32 s3, s2  }
0x8d: {  	s2 =	sadd.s32 s2, s17  }
0x8e: {  	[smem:$0x3FC0] =	sst s2  }
0x8f: {  	_ = 	snop  }
0x90: {  	s2 =	sld [smem:$0x3FD0];
	(tm) =	ssettm $0x1  }
0x91: {  	s18 =	sld [smem:$0x3FFB];
	_ =	sdelay $0x3  }
0x92: {  	_ =	strace s18  }
0x93: {  	s3 =	sld [smem:$0x3FFC];
	_ =	sdelay $0x3  }
0x94: {  	_ =	strace s3  }
0x95: {  	s3 =	sld [smem:$0x3FFD];
	_ =	sdelay $0x3  }
0x96: {  	_ =	strace s3  }
0x97: {  	_ =	strace $0x8FFFFFFF  }
0x98: {  	s19 =	sld [smem:$0x3FDB];
	_ =	sdelay $0x1  }
0x99: {  	s4 =	simm.s32 $_scs_section_size  }
0x9a: {  	s5 =	simm.s32 $_size__tile_overlayer_lowered;
	s6 =	simm.s32 $_tile_overlayer_lowered  }
0x9b: {  	s22 =	simm.s32 $0x1BFF;
	s21 =	sshll.u32 s6, $0x1;
	s3 =	sadd.s32 s4, s19  }
0x9c: {  	s7 =	simm.s32 $0x0;
	s20 =	sshll.u32 s5, $0x1;
	s5 =	sadd.s32 s21, s3  }
0x9d: {  	[timem:s7], [sflag:s22] =	dma.local [hbm:s5], s20  }
0x9e: {  	_ =	swait.ge [sflag:s22], s20  }
0x9f: {  	s4 =	ssub.s32 $0x0, s20;
	[sflag:s22] =	ssyncset.done $0x0  }
0xa0: {  	[sflag:s22] =	ssyncadd.s32 s4;
	_ =	sdelay $0x1  }
0xa1: {  	s23 =	simm.s32 $0x1B8B  }
0xa2: {  	_ =	swait.ge [sflag:s23], $0x1  }
0xa3: {  	[sflag:s23] =	ssyncset.done $0x0  }
0xa4: {  	s25 =	simm.s32 $0x1B8E;
	s24 =	sld [smem:$0x3FFE];
	[sflag:s23] =	ssyncadd.s32 $0xFFFFFFFF  }
0xa5: {  	s26 =	simm.s32 $execute0_lowered;
	[smem:$0x3FD2] =	sst s25  }
0xa6: {  	s5 =	sshll.u32 s26, $0x1;
	_ =	strace $0x8000004C;
	[dreg:$0x1] =	wrdreg $0xFFFFFFFF  }
0xa7: {  	s28 =	simm.s32 $_size_execute0_lowered;
	s3 =	sadd.s32 s3, s5;
	[dreg:$0x0] =	wrdreg $0x0  }
0xa8: {  	s5 =	sshll.u32 s28, $0x1;
	[dreg:$0x2] =	wrdreg s3  }
0xa9: {  	[dreg:$0x3] =	wrdreg s5  }
0xaa: {  	[dreg:$0x4] =	wrdreg $0xC0  }
0xab: {  	_ =	task [dreg:s7], $0x5FFFF  }
0xac: {  	[dreg:$0x1] =	wrdreg $0xFFFFFFFF  }
0xad: {  	[dreg:$0x0] =	wrdreg $0x60  }
0xae: {  	[dreg:$0x2] =	wrdreg s2  }
0xaf: {  	[dreg:$0x3] =	wrdreg s24  }
0xb0: {  	[dreg:$0x4] =	wrdreg $0x76200  }
0xb1: {  	[dreg:$0x5] =	wrdreg $0x116200  }
0xb2: {  	[dreg:$0x6] =	wrdreg $0x9  }
0xb3: {  	_ =	task.clear_ibuf [dreg:s7], $0x7FFFF;
	_ =	strace $0x9000004C  }
0xb4: {  	s29 =	simm.s32 $0x9;
	_ =	strace $0x8000004E  }
0xb5: {  	_ =	swait.ge [sflag:s29], $0x1  }
0xb6: {  	[sflag:s29] =	ssyncadd.s32 $0xFFFFFFFF  }
0xb7: {  	_ =	strace $0x9000004E  }
0xb8: {  	_ =	sfence  }
0xb9: {  	s30 =	sld [smem:$0x0];
	_ =	sdelay $0x2  }
0xba: {  	s31 =	sshll.u32 s1, $0xD;
	s1 =	sshrl.u32 s1, $0x2  }
0xbb: {  	s3 =	sand.u32 $0x4000, s31;
	s1 =	sadd.s32 s1, s30  }
0xbc: {  	s0 =	sor.u32 s3, s0;
	s1 =	sshll.u32 s1, $0x11  }
0xbd: {  	s0 =	sor.u32 s1, s0  }
0xbe: {  	s0 =	sadd.s32 $0x8F2B, s0  }
0xbf: {  	[sflag:s0] =	ssyncadd.remote.s32 $0x1  }
0xc0: {  	_ =	sfence.sel $0xFFFF  }
0xc1: {  	[dreg:$0x0] =	wrdreg $0xFFFFFFFF;
	(pc) =	sbr.abs _section_cstart, $3  }
0xc2: {  	[dreg:$0x1] =	wrdreg $0xFFFFFFFF  }
0xc3: {  	_ =	task.clear_ibuf [dreg:s7], $0x2FFFF;
	_ =	strace $0x9FFFFFFF  }
0xc4: {  	(tm) =	ssettm $0x7FFFFFFF  }
0xc5: {  	_ =	shalt  }
tec
execute0_lowered:
.L_overlay_start_1:
0x0: {  	(tag) =	ssettag $0x1  }
0x1: {  	s9 =	rddreg [dreg:$0x0]  }
0x2: {  	s5 =	rddreg [dreg:$0x1]  }
0x3: {  	s0 =	srdreg.scid;
	s1 =	rddreg [dreg:$0x2]  }
0x4: {  	s12 =	stileid.u32;
	s2 =	rddreg [dreg:$0x3];
	s3 =	simm.s32 $0x0  }
0x5: {  	s17 =	simm.s32 $0x1;
	s18 =	simm.s32 $0x2;
	s19 =	simm.s32 $0x50  }
0x6: {  	s20 =	simm.s32 $0x4E20;
	s21 =	simm.s32 $0x6220;
	s22 =	simm.s32 $0x4DD0  }
0x7: {  	s23 =	simm.s32 $0x0;
	s4 =	sand.u32 $0x1, s0;
	s7 =	smul.u32 $0xA000, s12  }
0x8: {  	[smem:$0x7FF] =	sst s3;
	s30 =	smul.u32 $0x9C00, s12;
	s31 =	sshll.u32 s12, $0x6  }
0x9: {  	s16 =	sadd.s32 $0x9C000, s2;
	p0 =	sne.s32 s12, $0x0;
	s0 =	sshll.u32 s4, $0x4  }
0xa: {  	s8 =	smul.u32 $0xA0000, s4;
	s4 =	ssub.s32 $0x2, s4;
	s16 =	sshrl.u32 @!p0 s16, $0x3  }
0xb: {  	s0 =	sor.u32 s12, s0;
	s10 =	sshrl.u32 s7, $0x3;
	s11 =	sshrl.u32 s4, $0x1  }
0xc: {  	s14 =	sadd.s32 s7, s1;
	s15 =	sadd.s32 s30, s2;
	s12 =	simm.s32 $0x2710  }
0xd: {  	s6 =	smul.u32 $0x4E2, s0;
	s0 =	rddreg [dreg:$0x4];
	_ =	strace $0x8000004D  }
0xe: {  	s8 =	sadd.s32 s7, s8;
	s10 =	sadd.s32 s10, s5;
	s11 =	ssub.s32 s4, s11  }
0xf: {  	s7 =	sor.u32 $0x1C03, s31;
	s15 =	sshrl.u32 s15, $0x3;
	s8 =	sshrl.u32 s8, $0x3  }
0x10: {  	s11 =	smax.u32 s11, $0x1;
	s6 =	sadd.s32 s6, s5;
	s13 =	sadd.s32 s8, s5  }
0x11: {  	s8 =	sshrl.u32 s30, $0x3;
	s4 =	sadd.s32 $0xB400, s6;
	s5 =	sadd.s32 $0x1600, s6  }
0x12: {  	s6 =	sadd.s32 $0x15200, s10;
	s8 =	sadd.s32 s9, s8;
	s9 =	sadd.s32 $0x13800, s9  }
0x13: {  	s10 =	sadd.s32 $0x29200, s13;
	s13 =	sshrl.u32 s14, $0x3;
	s14 =	simm.s32 $0x3  }
.LBB2_1:
0x14: {  	[tilespmem:s3], [sflag:$0x1] =	stream.linear.gather [hbm4b:s4+s3], $0x2710, $0x38;
	[tilespmem:$0x1B260] =	vst v63  }
0x15: {  	_ = 	snop  }
0x16: {  	[tilespmem:s12], [sflag:$0x2] =	stream.linear.gather [hbm4b:s5+s3], $0x2710, $0x38;
	[tilespmem:$0x1B260] =	vst v63  }
0x17: {  	[spmem:s13], [sflag:s7] =	dma.local [hbm:s6], $0x1400  }
0x18: {  	_ =	swait.ge [sflag:s14], $0x1400  }
0x19: {  	[sflag:s14] =	ssyncset.done $0x0  }
0x1a: {  	[sflag:s14] =	ssyncadd.s32 $0xFFFFEC00  }
0x1b: {  	[spmem:s15], [sflag:s7] =	dma.local [hbm:s8], $0x1380  }
0x1c: {  	_ =	swait.ge [sflag:s14], $0x1380  }
0x1d: {  	[sflag:s14] =	ssyncset.done $0x0  }
0x1e: {  	s24 =	simm.s32 @!p0 $0x3;
	[sflag:s14] =	ssyncadd.s32 $0xFFFFEC80  }
0x1f: {  	[spmem:s16], [sflag:s7] =	dma.local @!p0 [hbm:s9], $0x80  }
0x20: {  	_ =	swait.ge @!p0 [sflag:s24], $0x80  }
0x21: {  	[sflag:s24] =	ssyncset.done @!p0 $0x0  }
0x22: {  	[sflag:s24] =	ssyncadd.s32 @!p0 $0xFFFFFF80  }
0x23: {  	_ =	swait.ge [sflag:s17], $0x2710  }
0x24: {  	[sflag:s17] =	ssyncset.done $0x0  }
0x25: {  	[sflag:s17] =	ssyncadd.s32 $0xFFFFD8F0  }
0x26: {  	_ =	swait.ge [sflag:s18], $0x2710  }
0x27: {  	[sflag:s18] =	ssyncset.done $0x0  }
0x28: {  	[sflag:s18] =	ssyncadd.s32 $0xFFFFD8F0  }
0x29: {  	[bflag:$0x0] =	sbarrier.arrive $0xFFFF  }
0x2a: {  	[tilespmem:s20], [sflag:$0x1] =	stream.indirect.gather [spmem:s2], $0x40, s3, s19, $0xb8;
	[tilespmem:$0x1B260] =	vst v63  }
0x2b: {  	s28 =	simm.s32 $0x50  }
0x2c: {  	[tilespmem:s21], [sflag:$0x2] =	stream.indirect.gather [spmem:s2], $0x40, s28, s19, $0xb8;
	[tilespmem:$0x1B260] =	vst v63  }
0x2d: {  	_ =	swait.ge [sflag:s17], $0x1400  }
0x2e: {  	[sflag:s17] =	ssyncset.done $0x0  }
0x2f: {  	s29 =	simm.s32 $0x2710;
	[sflag:s17] =	ssyncadd.s32 $0xFFFFEC00  }
0x30: {  	[spmem:s1] =	stream.indirect.scatter.add.f32 [tilespmem:s20], [sflag:$0x3], $0x40, s29, s19, $0xb8;
	[tilespmem:$0x1B260] =	vst v63  }
0x31: {  	_ =	swait.ge [sflag:s14], $0x1400  }
0x32: {  	[sflag:s14] =	ssyncset.done $0x0  }
0x33: {  	s30 =	simm.s32 $0xA0;
	[sflag:s14] =	ssyncadd.s32 $0xFFFFEC00  }
0x34: {  	[tilespmem:s20], [sflag:$0x1] =	stream.indirect.gather [spmem:s2], $0x40, s30, s19, $0xb8;
	[tilespmem:$0x1B260] =	vst v63  }
0x35: {  	_ =	swait.ge [sflag:s18], $0x1400  }
0x36: {  	[sflag:s18] =	ssyncset.done $0x0  }
0x37: {  	s31 =	simm.s32 $0x2760;
	[sflag:s18] =	ssyncadd.s32 $0xFFFFEC00  }
0x38: {  	[spmem:s1] =	stream.indirect.scatter.add.f32 [tilespmem:s21], [sflag:$0x3], $0x40, s31, s19, $0xb8;
	[tilespmem:$0x1B260] =	vst v63  }
0x39: {  	_ =	swait.ge [sflag:s14], $0x1400  }
0x3a: {  	s25 =	simm.s32 $0x500;
	s24 =	simm.s32 $0xA0;
	[sflag:s14] =	ssyncset.done $0x0  }
.LBB2_2:
0x3b: {  	s26 =	sadd.s32 $0x50, s24  }
0x3c: {  	[sflag:s14] =	ssyncadd.s32 $0xFFFFEC00;
	s28 =	smov.u32 s25;
	s29 =	sadd.s32 $0x280, s25  }
0x3d: {  	[tilespmem:s21], [sflag:$0x2] =	stream.indirect.gather [spmem:s2], $0x40, s26, s19, $0xb8;
	[tilespmem:$0x1B260] =	vst v63  }
0x3e: {  	p1 =	sne.s32 s25, $0x9880;
	_ =	swait.ge [sflag:s17], $0x1400  }
0x3f: {  	[sflag:s17] =	ssyncset.done $0x0  }
0x40: {  	s25 =	sadd.s32 $0x2710, s24;
	[sflag:s17] =	ssyncadd.s32 $0xFFFFEC00  }
0x41: {  	[spmem:s1] =	stream.indirect.scatter.add.f32 [tilespmem:s20], [sflag:$0x3], $0x40, s25, s19, $0xb8;
	[tilespmem:$0x1B260] =	vst v63  }
0x42: {  	_ =	swait.ge [sflag:s14], $0x1400  }
0x43: {  	[sflag:s14] =	ssyncset.done $0x0  }
0x44: {  	s25 =	sadd.s32 $0xA0, s24;
	[sflag:s14] =	ssyncadd.s32 $0xFFFFEC00  }
0x45: {  	[tilespmem:s20], [sflag:$0x1] =	stream.indirect.gather [spmem:s2], $0x40, s25, s19, $0xb8;
	[tilespmem:$0x1B260] =	vst v63  }
0x46: {  	_ =	swait.ge [sflag:s18], $0x1400  }
.Ltmp0:
0x47: {  	[sflag:s18] =	ssyncset.done $0x0;
	(pc) =	sbr.rel @p1 .LBB2_2-.Ltmp0, $4  }
0x48: {  	s24 =	sadd.s32 $0x2760, s24;
	[sflag:s18] =	ssyncadd.s32 $0xFFFFEC00  }
0x49: {  	[spmem:s1] =	stream.indirect.scatter.add.f32 [tilespmem:s21], [sflag:$0x3], $0x40, s24, s19, $0xb8;
	[tilespmem:$0x1B260] =	vst v63  }
0x4a: {  	_ =	swait.ge [sflag:s14], $0x1400  }
0x4b: {  	s25 =	smov.u32 s29;
	s24 =	sshra.s32 s28, $0x2;
	[sflag:s14] =	ssyncset.done $0x0  }
0x4c: {  	s25 =	sadd.s32 $0x50, s24;
	[sflag:s14] =	ssyncadd.s32 $0xFFFFEC00  }
0x4d: {  	[tilespmem:s21], [sflag:$0x2] =	stream.indirect.gather [spmem:s2], $0x40, s25, s19, $0xb8;
	[tilespmem:$0x1B260] =	vst v63  }
0x4e: {  	_ =	swait.ge [sflag:s17], $0x1400  }
0x4f: {  	[sflag:s17] =	ssyncset.done $0x0  }
0x50: {  	s29 =	sadd.s32 $0x2710, s24;
	[sflag:s17] =	ssyncadd.s32 $0xFFFFEC00  }
0x51: {  	[spmem:s1] =	stream.indirect.scatter.add.f32 [tilespmem:s20], [sflag:$0x3], $0x40, s29, s19, $0xb8;
	[tilespmem:$0x1B260] =	vst v63  }
0x52: {  	_ =	swait.ge [sflag:s14], $0x1400  }
0x53: {  	[sflag:s14] =	ssyncset.done $0x0  }
0x54: {  	s30 =	sadd.s32 $0xA0, s24;
	[sflag:s14] =	ssyncadd.s32 $0xFFFFEC00  }
0x55: {  	[tilespmem:s20], [sflag:$0x1] =	stream.indirect.gather [spmem:s2], $0x40, s30, s19, $0xb8;
	[tilespmem:$0x1B260] =	vst v63  }
0x56: {  	_ =	swait.ge [sflag:s18], $0x1400  }
0x57: {  	[sflag:s18] =	ssyncset.done $0x0  }
0x58: {  	s31 =	sadd.s32 $0x2760, s24;
	[sflag:s18] =	ssyncadd.s32 $0xFFFFEC00  }
0x59: {  	[spmem:s1] =	stream.indirect.scatter.add.f32 [tilespmem:s21], [sflag:$0x3], $0x40, s31, s19, $0xb8;
	[tilespmem:$0x1B260] =	vst v63  }
0x5a: {  	_ =	swait.ge [sflag:s14], $0x1400  }
0x5b: {  	[sflag:s14] =	ssyncset.done $0x0  }
0x5c: {  	[sflag:s14] =	ssyncadd.s32 $0xFFFFEC00  }
0x5d: {  	_ =	swait.ge [sflag:s17], $0x1400  }
0x5e: {  	[sflag:s17] =	ssyncset.done $0x0  }
0x5f: {  	[sflag:s17] =	ssyncadd.s32 $0xFFFFEC00  }
0x60: {  	[spmem:s1] =	stream.indirect.scatter.add.f32 [tilespmem:s20], [sflag:$0x3], $0x40, s22, s19, $0xb8;
	[tilespmem:$0x1B260] =	vst v63  }
0x61: {  	_ =	swait.ge [sflag:s14], $0x1400  }
0x62: {  	s23 =	sadd.s32 $0x1, s23;
	[sflag:s14] =	ssyncset.done $0x0  }
0x63: {  	p1 =	sne.s32 s23, s11;
	[sflag:s14] =	ssyncadd.s32 $0xFFFFEC00  }
.Ltmp1:
0x64: {  	[bflag:$0x0] =	sbarrier.arrive $0xFFFF;
	(pc) =	sbr.rel @p1 .LBB2_1-.Ltmp1, $4  }
0x65: {  	[hbm:s10], [sflag:s7] =	dma.local [spmem:s13], $0x1400  }
0x66: {  	_ =	swait.ge [sflag:s14], $0x1400  }
0x67: {  	[sflag:s14] =	ssyncset.done $0x0  }
0x68: {  	[sflag:s14] =	ssyncadd.s32 $0xFFFFEC00  }
0x69: {  	_ =	sfence.sel $0x180000  }
0x6a: {  	[bflag:$0x0] =	sbarrier.arrive $0xFFFF  }
0x6b: {  	_ =	strace $0x9000004D  }
0x6c: {  	s0 =	sadd.s32 @!p0 $0x100000, s0;
	[bflag:$0x2] =	sbarrier.arrive $0xFFFF  }
0x6d: {  	[sflag:s0] =	ssyncadd.tile.s32 @!p0 $0x1;
	_ =	shalt  }
.Lfunc_end2:
_tile_overlayer_lowered:
.L_overlay_start_2:
0x6e: {  	(tag) =	ssettag $0x2  }
0x6f: {  	s0 =	rddreg [dreg:$0x0];
	s2 =	stileid.u32  }
0x70: {  	s1 =	rddreg [dreg:$0x1];
	p0 =	sne.s32 s2, $0x0  }
0x71: {  	s3 =	rddreg [dreg:$0x2];
	[bflag:$0x3] =	sbarrier.arrive $0xFFFF;
	s2 =	simm.s32 @!p0 $0x1C03  }
0x72: {  	[timem:s3], [sflag:s2] =	dma.local @!p0 [hbm:s0], s1  }
0x73: {  	s0 =	simm.s32 @!p0 $0x3  }
0x74: {  	_ =	swait.ge @!p0 [sflag:s0], s1  }
0x75: {  	s1 =	ssub.s32 @!p0 $0x0, s1;
	[sflag:s0] =	ssyncset.done @!p0 $0x0  }
0x76: {  	[sflag:s0] =	ssyncadd.s32 @!p0 s1  }
0x77: {  	[bflag:$0x3] =	sbarrier.arrive $0xFFFF  }
0x78: {  	_ =	shalt  }

// kernel: kernel.9.cloned.1.call-start
scs
__scs_entry_jumppad:
0x0: {  	(pc) =	sbr.rel $0x88, $3  }
0x1: {  	(tag) =	ssettag $0x0;
	lr =	simm.s32 $0x1  }
0x2: {  	[smem:$0x3F99] =	sst lr;
	_ =	strace $0xD0000000  }
0x3: {  	_ = 	snop  }
0x4: {  	_ = 	snop  }
0x5: {  	_ = 	snop  }
0x6: {  	_ = 	snop  }
0x7: {  	_ = 	snop  }
__scs_overlays_trampoline_lowered:
0x8: {  	[smem:$0x3FA8] =	sst s0  }
0x9: {  	[smem:$0x3FA9] =	sst s1  }
0xa: {  	[smem:$0x3FAA] =	sst s2  }
0xb: {  	[smem:$0x3FAB] =	sst s3  }
0xc: {  	[smem:$0x3FAC] =	sst s4  }
0xd: {  	[smem:$0x3FAD] =	sst s5  }
0xe: {  	[smem:$0x3FAE] =	sst s6  }
0xf: {  	[smem:$0x3FAF] =	sst s7  }
0x10: {  	[smem:$0x3FB0] =	sst s8  }
0x11: {  	[smem:$0x3FB1] =	sst s9;
	s0 =	simm.s32 @!p0 $0x0  }
0x12: {  	s1 =	sld [smem:$0x3F97];
	s0 =	simm.s32 @p0 $0x1  }
0x13: {  	[smem:$0x3FB2] =	sst s0;
	s0 =	simm.s32 @!p1 $0x0  }
0x14: {  	s2 =	sld [smem:$0x3F96];
	s0 =	simm.s32 @p1 $0x1  }
0x15: {  	[smem:$0x3FB3] =	sst s0;
	s0 =	simm.s32 @!p2 $0x0  }
0x16: {  	s3 =	sld [smem:$0x3FDB];
	s0 =	simm.s32 @p2 $0x1  }
0x17: {  	s4 =	simm.s32 $0x1BF5;
	[smem:$0x3FB5] =	sst s0  }
0x18: {  	s0 =	sld [smem:$0x3F98];
	_ =	swait.ge [sflag:s4], $0x0  }
0x19: {  	s7 =	sld [smem:$0x3F99]  }
0x1a: {  	s8 =	sadd.s32 $0xFFFFE003, lr  }
0x1b: {  	s9 =	sadd.s32 $0xFFFFFEF7, lr;
	s5 =	simm.s32 $0xFFFFFFFF;
	p2 =	slt.u32 s8, $0xFFFFF086  }
0x1c: {  	p1 =	slt.u32 s9, $0xF7A;
	s5 =	simm.s32 @!p2 $0x0  }
0x1d: {  	s5 =	simm.s32 @p1 $0x1;
	p0 =	seq.s32 s7, s2  }
0x1e: {  	s7 =	smul.u32 @!p0 $0xF7A, s2;
	p2 =	seq.s32 @!p0 s5, $0x0  }
0x1f: {  	s9 =	smul.u32 $0xF7A, s1;
	s8 =	simm.s32 @!p0 $0x1BF5;
	p2 =	por !p2, p0  }
0x20: {  	[sflag:s8] =	ssyncset.s32 @!p0 $0xFFFFF086;
	s6 =	sadd.s32 @!p0 s3, s7;
	s7 =	simm.s32 @!p0 $0x108  }
0x21: {  	s3 =	sadd.s32 s3, s9;
	s6 =	sadd.s32 @!p0 $0x88, s6;
	s7 =	simm.s32 @p2 $0x1082  }
0x22: {  	[simem:s7], [sflag:s8] =	dma.local @!p0 [hbm:s6], $0xF7A  }
0x23: {  	s9 =	sor.u32 $0xD0000000, s2;
	s6 =	simm.s32 $0x108;
	_ =	swait.ge @!p0 [sflag:s8], $0x0  }
0x24: {  	s3 =	sadd.s32 $0x88, s3;
	s6 =	simm.s32 @!p1 $0x1082;
	[sflag:s4] =	ssyncset.s32 $0xFFFFF086  }
0x25: {  	[simem:s6], [sflag:s4] =	dma.local [hbm:s3], $0xF7A  }
0x26: {  	[smem:$0x3F99] =	sst s1;
	(tag) =	ssettag s2;
	_ =	strace s9  }
0x27: {  	s1 =	sld [smem:$0x3FA9]  }
0x28: {  	s2 =	sld [smem:$0x3FAA]  }
0x29: {  	s4 =	sld [smem:$0x3FAC]  }
0x2a: {  	p0 =	seq.s32 s5, $0x0;
	s5 =	sld [smem:$0x3FAD]  }
0x2b: {  	s6 =	sld [smem:$0x3FAE]  }
0x2c: {  	s7 =	sld [smem:$0x3FAF]  }
0x2d: {  	s3 =	simm.s32 $0x108;
	s8 =	sld [smem:$0x3FB0]  }
0x2e: {  	s3 =	simm.s32 @!p0 $0x1082;
	s9 =	sld [smem:$0x3FB1]  }
0x2f: {  	lr =	sadd.s32 s0, s3;
	s0 =	sld [smem:$0x3FA8]  }
0x30: {  	s3 =	sld [smem:$0x3FAB]  }
0x31: {  	[smem:$0x3FB4] =	sst s10  }
0x32: {  	s10 =	sld [smem:$0x3FB2];
	_ =	sdelay $0x3  }
0x33: {  	p0 =	seq.s32 s10, $0x1;
	s10 =	sld [smem:$0x3FB4];
	_ =	sdelay $0x3  }
0x34: {  	[smem:$0x3FB4] =	sst s10  }
0x35: {  	s10 =	sld [smem:$0x3FB3];
	_ =	sdelay $0x3  }
0x36: {  	p1 =	seq.s32 s10, $0x1;
	s10 =	sld [smem:$0x3FB4];
	_ =	sdelay $0x3  }
0x37: {  	[smem:$0x3FB4] =	sst s10  }
0x38: {  	s10 =	sld [smem:$0x3FB5]  }
0x39: {  	_ = 	snop;
	(pc) =	sbr.ind lr, $3  }
0x3a: {  	_ = 	snop  }
0x3b: {  	_ = 	snop  }
0x3c: {  	p2 =	seq.s32 s10, $0x1;
	s10 =	sld [smem:$0x3FB4]  }
0x3d: {  	_ =	shalt  }
0x3e: {  	_ =	shalt  }
0x3f: {  	_ =	shalt  }
0x40: {  	_ =	shalt  }
0x41: {  	_ =	shalt  }
0x42: {  	_ =	shalt  }
0x43: {  	_ =	shalt  }
0x44: {  	_ =	shalt  }
0x45: {  	_ =	shalt  }
0x46: {  	_ =	shalt  }
0x47: {  	_ =	shalt  }
0x48: {  	_ =	shalt  }
0x49: {  	_ =	shalt  }
0x4a: {  	_ =	shalt  }
0x4b: {  	_ =	shalt  }
0x4c: {  	_ =	shalt  }
0x4d: {  	_ =	shalt  }
0x4e: {  	_ =	shalt  }
0x4f: {  	_ =	shalt  }
0x50: {  	_ =	shalt  }
0x51: {  	_ =	shalt  }
0x52: {  	_ =	shalt  }
0x53: {  	_ =	shalt  }
0x54: {  	_ =	shalt  }
0x55: {  	_ =	shalt  }
0x56: {  	_ =	shalt  }
0x57: {  	_ =	shalt  }
0x58: {  	_ =	shalt  }
0x59: {  	_ =	shalt  }
0x5a: {  	_ =	shalt  }
0x5b: {  	_ =	shalt  }
0x5c: {  	_ =	shalt  }
0x5d: {  	_ =	shalt  }
0x5e: {  	_ =	shalt  }
0x5f: {  	_ =	shalt  }
0x60: {  	_ =	shalt  }
0x61: {  	_ =	shalt  }
0x62: {  	_ =	shalt  }
0x63: {  	_ =	shalt  }
0x64: {  	_ =	shalt  }
0x65: {  	_ =	shalt  }
0x66: {  	_ =	shalt  }
0x67: {  	_ =	shalt  }
0x68: {  	_ =	shalt  }
0x69: {  	_ =	shalt  }
0x6a: {  	_ =	shalt  }
0x6b: {  	_ =	shalt  }
0x6c: {  	_ =	shalt  }
0x6d: {  	_ =	shalt  }
0x6e: {  	_ =	shalt  }
0x6f: {  	_ =	shalt  }
0x70: {  	_ =	shalt  }
0x71: {  	_ =	shalt  }
0x72: {  	_ =	shalt  }
0x73: {  	_ =	shalt  }
0x74: {  	_ =	shalt  }
0x75: {  	_ =	shalt  }
0x76: {  	_ =	shalt  }
0x77: {  	_ =	shalt  }
0x78: {  	_ =	shalt  }
0x79: {  	_ =	shalt  }
0x7a: {  	_ =	shalt  }
0x7b: {  	_ =	shalt  }
0x7c: {  	_ =	shalt  }
0x7d: {  	_ =	shalt  }
0x7e: {  	_ =	shalt  }
0x7f: {  	_ =	shalt  }
0x80: {  	_ =	shalt  }
0x81: {  	_ =	shalt  }
0x82: {  	_ =	shalt  }
0x83: {  	_ =	shalt  }
0x84: {  	_ =	shalt  }
0x85: {  	_ =	shalt  }
0x86: {  	_ =	shalt  }
0x87: {  	_ =	shalt  }
.Lfunc_end0:
.L_simem_size_0:
called_computation_lowered:
.L_overlay_start_0:
0x88: {  	s2 =	sld [smem:$0x3FD9]  }
0x89: {  	s3 =	sld [smem:$0x3FFE];
	_ =	sdelay $0x1  }
0x8a: {  	s1 =	srdreg.scid  }
0x8b: {  	s0 =	sand.u32 $0x1, s1  }
0x8c: {  	s17 =	sshll.u32 s0, $0xA;
	s2 =	sadd.s32 s3, s2  }
0x8d: {  	s2 =	sadd.s32 s2, s17  }
0x8e: {  	[smem:$0x3FC0] =	sst s2  }
0x8f: {  	_ = 	snop  }
0x90: {  	s2 =	sld [smem:$0x3FD0];
	(tm) =	ssettm $0x1  }
0x91: {  	s18 =	sld [smem:$0x3FFB];
	_ =	sdelay $0x3  }
0x92: {  	_ =	strace s18  }
0x93: {  	s3 =	sld [smem:$0x3FFC];
	_ =	sdelay $0x3  }
0x94: {  	_ =	strace s3  }
0x95: {  	s3 =	sld [smem:$0x3FFD];
	_ =	sdelay $0x3  }
0x96: {  	_ =	strace s3  }
0x97: {  	_ =	strace $0x8FFFFFFF  }
0x98: {  	s19 =	sld [smem:$0x3FDB];
	_ =	sdelay $0x1  }
0x99: {  	s4 =	simm.s32 $_scs_section_size  }
0x9a: {  	s5 =	simm.s32 $_size__tile_overlayer_lowered;
	s6 =	simm.s32 $_tile_overlayer_lowered  }
0x9b: {  	s22 =	simm.s32 $0x1BFF;
	s21 =	sshll.u32 s6, $0x1;
	s3 =	sadd.s32 s4, s19  }
0x9c: {  	s7 =	simm.s32 $0x0;
	s20 =	sshll.u32 s5, $0x1;
	s5 =	sadd.s32 s21, s3  }
0x9d: {  	[timem:s7], [sflag:s22] =	dma.local [hbm:s5], s20  }
0x9e: {  	_ =	swait.ge [sflag:s22], s20  }
0x9f: {  	s4 =	ssub.s32 $0x0, s20;
	[sflag:s22] =	ssyncset.done $0x0  }
0xa0: {  	[sflag:s22] =	ssyncadd.s32 s4;
	_ =	sdelay $0x1  }
0xa1: {  	s23 =	simm.s32 $0x1B8B  }
0xa2: {  	_ =	swait.ge [sflag:s23], $0x1  }
0xa3: {  	[sflag:s23] =	ssyncset.done $0x0  }
0xa4: {  	s25 =	simm.s32 $0x1B8E;
	s24 =	sld [smem:$0x3FFE];
	[sflag:s23] =	ssyncadd.s32 $0xFFFFFFFF  }
0xa5: {  	s26 =	simm.s32 $execute0_lowered;
	[smem:$0x3FD2] =	sst s25  }
0xa6: {  	s5 =	sshll.u32 s26, $0x1;
	_ =	strace $0x80000046;
	[dreg:$0x1] =	wrdreg $0xFFFFFFFF  }
0xa7: {  	s28 =	simm.s32 $_size_execute0_lowered;
	s3 =	sadd.s32 s3, s5;
	[dreg:$0x0] =	wrdreg $0x0  }
0xa8: {  	s5 =	sshll.u32 s28, $0x1;
	[dreg:$0x2] =	wrdreg s3  }
0xa9: {  	[dreg:$0x3] =	wrdreg s5  }
0xaa: {  	[dreg:$0x4] =	wrdreg $0xC0  }
0xab: {  	_ =	task [dreg:s7], $0x5FFFF  }
0xac: {  	[dreg:$0x1] =	wrdreg $0xFFFFFFFF  }
0xad: {  	[dreg:$0x0] =	wrdreg $0x60  }
0xae: {  	[dreg:$0x2] =	wrdreg s24  }
0xaf: {  	[dreg:$0x3] =	wrdreg s2  }
0xb0: {  	[dreg:$0x4] =	wrdreg $0x29900  }
0xb1: {  	[dreg:$0x5] =	wrdreg $0x9  }
0xb2: {  	_ =	task.clear_ibuf [dreg:s7], $0x6FFFF;
	_ =	strace $0x90000046  }
0xb3: {  	s29 =	simm.s32 $0x9;
	_ =	strace $0x80000048  }
0xb4: {  	_ =	swait.ge [sflag:s29], $0x1  }
0xb5: {  	[sflag:s29] =	ssyncadd.s32 $0xFFFFFFFF  }
0xb6: {  	_ =	strace $0x90000048  }
0xb7: {  	_ =	sfence  }
0xb8: {  	s30 =	sld [smem:$0x0];
	_ =	sdelay $0x2  }
0xb9: {  	s31 =	sshll.u32 s1, $0xD;
	s1 =	sshrl.u32 s1, $0x2  }
0xba: {  	s3 =	sand.u32 $0x4000, s31;
	s1 =	sadd.s32 s1, s30  }
0xbb: {  	s0 =	sor.u32 s3, s0;
	s1 =	sshll.u32 s1, $0x11  }
0xbc: {  	s0 =	sor.u32 s1, s0  }
0xbd: {  	s0 =	sadd.s32 $0x8F2B, s0  }
0xbe: {  	[sflag:s0] =	ssyncadd.remote.s32 $0x1  }
0xbf: {  	_ =	sfence.sel $0xFFFF  }
0xc0: {  	[dreg:$0x0] =	wrdreg $0xFFFFFFFF;
	(pc) =	sbr.abs _section_cstart, $3  }
0xc1: {  	[dreg:$0x1] =	wrdreg $0xFFFFFFFF  }
0xc2: {  	_ =	task.clear_ibuf [dreg:s7], $0x2FFFF;
	_ =	strace $0x9FFFFFFF  }
0xc3: {  	(tm) =	ssettm $0x7FFFFFFF  }
tec
execute0_lowered:
.L_overlay_start_1:
0x0: {  	(tag) =	ssettag $0x1  }
0x1: {  	s4 =	rddreg [dreg:$0x0]  }
0x2: {  	s8 =	rddreg [dreg:$0x1]  }
0x3: {  	s0 =	srdreg.scid;
	s2 =	rddreg [dreg:$0x2]  }
0x4: {  	s3 =	simm.s32 $0x0;
	s13 =	simm.s32 $0x1;
	s14 =	simm.s32 $0x50  }
0x5: {  	s15 =	simm.s32 $0x0;
	s5 =	sand.u32 $0x1, s0;
	s0 =	stileid.u32  }
0x6: {  	[smem:$0x7FF] =	sst s3;
	s1 =	sshll.u32 s5, $0x4;
	s7 =	smul.u32 $0x1400, s0  }
0x7: {  	s9 =	ssub.s32 $0x2, s5;
	s12 =	smul.u32 $0x14000, s5;
	s31 =	sshll.u32 s0, $0x6  }
0x8: {  	s6 =	sor.u32 s0, s1;
	s1 =	rddreg [dreg:$0x3];
	_ =	strace $0x80000047  }
0x9: {  	s11 =	sshrl.u32 s9, $0x1;
	s6 =	smul.u32 $0x4E2, s6;
	s10 =	sshrl.u32 s7, $0x3  }
0xa: {  	s9 =	ssub.s32 s9, s11;
	s30 =	sadd.s32 s7, s2;
	s7 =	sadd.s32 s7, s12  }
0xb: {  	s11 =	simm.s32 $0x2;
	s10 =	sadd.s32 s10, s4;
	s12 =	sshrl.u32 s7, $0x3  }
0xc: {  	s7 =	sor.u32 $0x1C02, s31;
	s9 =	smax.u32 s9, $0x1;
	s6 =	sadd.s32 s6, s4  }
0xd: {  	s4 =	sadd.s32 $0x17A00, s4;
	s8 =	sadd.s32 s8, s12;
	s12 =	simm.s32 $0x2710  }
0xe: {  	s5 =	sadd.s32 $0x1600, s6;
	s6 =	sadd.s32 $0x15200, s10;
	s10 =	sshrl.u32 s30, $0x3  }
.LBB2_1:
0xf: {  	[tilespmem:s3], [sflag:$0x1] =	stream.linear.gather [hbm4b:s5+s3], $0x2710, $0x38;
	[tilespmem:$0x3D90] =	vst v63  }
0x10: {  	[spmem:s10], [sflag:s7] =	dma.local [hbm:s6], $0x280  }
0x11: {  	_ =	swait.ge [sflag:s11], $0x280  }
0x12: {  	[sflag:s11] =	ssyncset.done $0x0  }
0x13: {  	[sflag:s11] =	ssyncadd.s32 $0xFFFFFD80  }
0x14: {  	[tilespmem:s12], [sflag:$0x2] =	stream.linear.gather [hbm4b:s4+s3], $0x280, $0x38;
	[tilespmem:$0x3D90] =	vst v63  }
0x15: {  	_ =	swait.ge [sflag:s11], $0x280  }
0x16: {  	[sflag:s11] =	ssyncset.done $0x0  }
0x17: {  	[sflag:s11] =	ssyncadd.s32 $0xFFFFFD80  }
0x18: {  	_ =	swait.ge [sflag:s13], $0x2710  }
0x19: {  	[sflag:s13] =	ssyncset.done $0x0  }
0x1a: {  	[sflag:s13] =	ssyncadd.s32 $0xFFFFD8F0  }
0x1b: {  	s16 =	simm.s32 $0x0;
	[bflag:$0x0] =	sbarrier.arrive $0xFFFF  }
0x1c: {  	[spmem:s2] =	stream.indirect.scatter.add.f32 [tilespmem:s12], [sflag:$0x2], $0x8, s16, s14, $0xb8;
	[tilespmem:$0x3D90] =	vst v63  }
0x1d: {  	_ =	swait.ge [sflag:s11], $0x280  }
0x1e: {  	s16 =	simm.s32 $0x140;
	[sflag:s11] =	ssyncset.done $0x0  }
.LBB2_2:
0x1f: {  	s17 =	sshra.s32 s16, $0x2;
	[sflag:s11] =	ssyncadd.s32 $0xFFFFFD80;
	p0 =	sne.s32 s16, $0x9B00  }
0x20: {  	[spmem:s2] =	stream.indirect.scatter.add.f32 [tilespmem:s12], [sflag:$0x2], $0x8, s17, s14, $0xb8;
	[tilespmem:$0x3D90] =	vst v63  }
.Ltmp0:
0x21: {  	_ = 	snop;
	(pc) =	sbr.rel @p0 .LBB2_2-.Ltmp0, $4  }
0x22: {  	_ = 	snop  }
0x23: {  	s16 =	sadd.s32 $0x140, s16  }
0x24: {  	_ =	swait.ge [sflag:s11], $0x280  }
0x25: {  	[sflag:s11] =	ssyncset.done $0x0  }
0x26: {  	s15 =	sadd.s32 $0x1, s15  }
0x27: {  	[sflag:s11] =	ssyncadd.s32 $0xFFFFFD80;
	p0 =	sne.s32 s15, s9  }
.Ltmp1:
0x28: {  	[bflag:$0x0] =	sbarrier.arrive $0xFFFF;
	(pc) =	sbr.rel @p0 .LBB2_1-.Ltmp1, $4  }
0x29: {  	[hbm:s8], [sflag:s7] =	dma.local [spmem:s10], $0x280  }
0x2a: {  	_ =	swait.ge [sflag:s11], $0x280  }
0x2b: {  	[sflag:s11] =	ssyncset.done $0x0  }
0x2c: {  	[sflag:s11] =	ssyncadd.s32 $0xFFFFFD80  }
0x2d: {  	_ =	sfence.sel $0x180000  }
0x2e: {  	[bflag:$0x0] =	sbarrier.arrive $0xFFFF  }
0x2f: {  	p0 =	sne.s32 s0, $0x0;
	_ =	strace $0x90000047  }
0x30: {  	s0 =	sadd.s32 @!p0 $0x100000, s1;
	[bflag:$0x2] =	sbarrier.arrive $0xFFFF  }
0x31: {  	[sflag:s0] =	ssyncadd.tile.s32 @!p0 $0x1;
	_ =	shalt  }
.Lfunc_end2:
_tile_overlayer_lowered:
.L_overlay_start_2:
0x32: {  	(tag) =	ssettag $0x2  }
0x33: {  	s0 =	rddreg [dreg:$0x0];
	s2 =	stileid.u32  }
0x34: {  	s1 =	rddreg [dreg:$0x1];
	p0 =	sne.s32 s2, $0x0  }
0x35: {  	s3 =	rddreg [dreg:$0x2];
	[bflag:$0x3] =	sbarrier.arrive $0xFFFF;
	s2 =	simm.s32 @!p0 $0x1C02  }
0x36: {  	[timem:s3], [sflag:s2] =	dma.local @!p0 [hbm:s0], s1  }
0x37: {  	s0 =	simm.s32 @!p0 $0x2  }
0x38: {  	_ =	swait.ge @!p0 [sflag:s0], s1  }
0x39: {  	s1 =	ssub.s32 @!p0 $0x0, s1;
	[sflag:s0] =	ssyncset.done @!p0 $0x0  }
0x3a: {  	[sflag:s0] =	ssyncadd.s32 @!p0 s1  }
0x3b: {  	[bflag:$0x3] =	sbarrier.arrive $0xFFFF  }
0x3c: {  	_ =	shalt  }

</sc_bundles>
